<compile_context>
chip_gen: v7x
topology: tpu7x:2x2x1
jax: 0.10.2.dev20260603
libtpu: 0.0.44.dev20260713+nightly
codegen_flags: <defaults>
</compile_context>

<pallas_src>
import functools

import jax
import jax.numpy as jnp
from jax import lax
from jax.experimental import pallas as pl
from jax.experimental.pallas import tpu as pltpu
from jax.experimental.pallas import tpu_sc as plsc

_N = 16384
_C = 4096
_SEG = 512
_R = 512
_NB = _N // _R
_TOPK = 20
_SKIP = 10
_NEG = -1e30

_NC = 2
_NS = 16
_NW = _NC * _NS
_SEG_PER_W = _SEG // _NW
_L = 16


def _loss_body(x_ref, lab_ref, out_ref):
    one_b = jnp.bfloat16(1.0)
    zero_b = jnp.bfloat16(0.0)
    neg_b = jnp.bfloat16(_NEG)
    x = x_ref[...]
    lab = lab_ref[0].astype(jnp.int16)
    col = lax.broadcasted_iota(jnp.int16, (_R, _C), 1)
    is_lab = col == lab
    xb = x.astype(jnp.bfloat16)
    tlog = jnp.sum(jnp.where(is_lab, xb, zero_b), axis=1, keepdims=True,
                   dtype=jnp.bfloat16).astype(jnp.float32)
    cur = jnp.where(is_lab, neg_b, xb)
    m = jnp.max(cur, axis=1, keepdims=True)
    big = jnp.maximum(tlog, m.astype(jnp.float32))
    total = jnp.exp(tlog - big)
    sent_b = jnp.bfloat16(-(2.0 ** 119))
    inv_v = 1.0 / (2.0 ** 119)
    ccum_prev = float(_SKIP)
    remaining = jnp.full((_R, 1), float(_TOPK - _SKIP), jnp.float32)
    for j in range(_TOPK):
        eq = cur == m
        cur = jnp.where(eq, sent_b, cur)
        if j < _SKIP:
            total = total + jnp.exp(m.astype(jnp.float32) - big)
        else:
            s = jnp.sum(cur, axis=1, keepdims=True,
                        dtype=jnp.bfloat16).astype(jnp.float32)
            ccum = jnp.minimum(s * -inv_v, 16384.0)
            c = jnp.maximum(ccum - ccum_prev, 0.0)
            ccum_prev = ccum
            take = jnp.minimum(c, remaining)
            total = total + take * jnp.exp(m.astype(jnp.float32) - big)
            remaining = remaining - take
        if j < _TOPK - 1:
            m = jnp.max(cur, axis=1, keepdims=True)
    out_ref[0] = jnp.log(total) + big - tlog


def _per_row_loss(outcls, labels3):
    return pl.pallas_call(
        _loss_body,
        grid=(_NB,),
        in_specs=[
            pl.BlockSpec((_R, _C), lambda i: (i, 0)),
            pl.BlockSpec((1, _R, 1), lambda i: (i, 0, 0)),
        ],
        out_specs=pl.BlockSpec((1, _R, 1), lambda i: (i, 0, 0)),
        out_shape=jax.ShapeDtypeStruct((_NB, _R, 1), jnp.float32),
    )(outcls, labels3)


_ROWS2D = 128
_RPW = _ROWS2D // _NS


def _seg_mean_body(loss_hbm, inst_hbm, out_hbm,
                   idx_v, val_v, ones_v, sum_sh, cnt_sh, sum_v, cnt_v, out_v):
    w = lax.axis_index("s")

    for j in range(128 // _L):
        ones_v[pl.ds(j * _L, _L)] = jnp.ones((_L,), jnp.float32)

    @pl.when(w == 0)
    def _zero():
        for i in range(_SEG // _L):
            out_v[pl.ds(i * _L, _L)] = jnp.zeros((_L,), jnp.float32)
        pltpu.sync_copy(out_v, sum_sh)
        pltpu.sync_copy(out_v, cnt_sh)

    row0 = pl.multiple_of(w * _RPW, _RPW)
    pltpu.sync_copy(inst_hbm.at[pl.ds(row0, _RPW)], idx_v)
    pltpu.sync_copy(loss_hbm.at[pl.ds(row0, _RPW)], val_v)
    plsc.subcore_barrier()
    for j in range(_RPW):
        pltpu.sync_copy(val_v.at[j], sum_sh.at[idx_v.at[j]], add=True)
        pltpu.sync_copy(ones_v, cnt_sh.at[idx_v.at[j]], add=True)
    plsc.subcore_barrier()

    @pl.when(w == 0)
    def _finish():
        pltpu.sync_copy(sum_sh, sum_v)
        pltpu.sync_copy(cnt_sh, cnt_v)
        for i in range(_SEG // _L):
            sl = pl.ds(i * _L, _L)
            out_v[sl] = sum_v[sl] / jnp.maximum(cnt_v[sl], 1.0)
        pltpu.sync_copy(out_v, out_hbm)


@functools.cache
def _seg_mean():
    return pl.kernel(
        _seg_mean_body,
        out_type=jax.ShapeDtypeStruct((_SEG,), jnp.float32),
        mesh=plsc.VectorSubcoreMesh(
            core_axis_name="c", subcore_axis_name="s",
            num_cores=1, num_subcores=_NS),
        scratch_types=[
            pltpu.VMEM((_RPW, 128), jnp.int32),
            pltpu.VMEM((_RPW, 128), jnp.float32),
            pltpu.VMEM((128,), jnp.float32),
            pltpu.VMEM_SHARED((_SEG,), jnp.float32),
            pltpu.VMEM_SHARED((_SEG,), jnp.float32),
            pltpu.VMEM((_SEG,), jnp.float32),
            pltpu.VMEM((_SEG,), jnp.float32),
            pltpu.VMEM((_SEG,), jnp.float32),
        ],
    )


def kernel(outcls, label_flatten, instmap):
    labels3 = label_flatten.reshape(_NB, _R, 1)
    loss2d = _per_row_loss(outcls, labels3).reshape(_ROWS2D, _ROWS2D)
    return _seg_mean()(loss2d, instmap.reshape(_ROWS2D, _ROWS2D))

# --- scband reference (transcript-rebuilt; emitter-appended) ---
"""Pipeline reference for scband-oscls-ng-perinstance-top20-1245540516269 (READ-ONLY COPY).

The authoritative reference and input builder live on the scoring server;
editing this copy changes nothing except your own understanding.
"""

import jax, jax.numpy as jnp
import numpy as np

N = 16384
C = 4096
NUM_INSTANCES = 512
IGNORE_INDEX = -1


def setup_inputs(seed: int = 0) -> dict:
    key = jax.random.key(seed)
    k0, k1, k2 = jax.random.split(key, 3)
    outcls = jax.random.normal(k0, (N, C), dtype=jnp.float32)
    label_flatten = jax.random.randint(k1, (N,), 0, C, dtype=jnp.int32)
    instmap = jnp.sort(jax.random.randint(k2, (N,), 0, NUM_INSTANCES, dtype=jnp.int32))
    return {"outcls": outcls, "label_flatten": label_flatten, "instmap": instmap}


def reference(outcls, label_flatten, instmap):
    n, c = outcls.shape
    # weight vector: ones(21)
    w = jnp.ones((21,), dtype=jnp.float32)
    # tlog = outcls.gather(1, label[...,None])  -> [N,1]
    tlog = jnp.take_along_axis(outcls, label_flatten[:, None], axis=1)
    # tmp = copy of outcls with the true-label logit masked to -9999
    tmp = outcls.at[jnp.arange(n), label_flatten].set(-9999.0)
    # top-20 of the masked logits
    sellog, _ = jax.lax.top_k(tmp, 20)
    # newlogit = [true_logit, top20_other_logits] -> [N, 21]
    newlogit = jnp.concatenate([tlog, sellog], axis=1)
    # rlabel: 0 everywhere except ignore_index positions keep ignore_index
    rlabel = jnp.where(label_flatten == IGNORE_INDEX, IGNORE_INDEX, 0)
    # cross_entropy(newlogit, rlabel, weight=w, ignore_index=-1, reduction='none')
    logp = jax.nn.log_softmax(newlogit, axis=1)
    safe_label = jnp.where(rlabel == IGNORE_INDEX, 0, rlabel)
    nll = -jnp.take_along_axis(logp, safe_label[:, None], axis=1)[:, 0]
    nll = nll * w[safe_label]
    clsloss = jnp.where(rlabel == IGNORE_INDEX, 0.0, nll)
    # scatter_mean(clsloss, instmap)
    sums = jax.ops.segment_sum(clsloss, instmap, num_segments=NUM_INSTANCES)
    counts = jax.ops.segment_sum(jnp.ones_like(clsloss), instmap, num_segments=NUM_INSTANCES)
    return sums / jnp.clip(counts, 1.0, None)

if __name__ == "__main__":
    import jax
    _d = setup_inputs()
    print(jax.jit(kernel)(*tuple(_d.values())))

</pallas_src>

<mosaic_0001>
#map = affine_map<(d0, d1) -> (0, 0)>
#map1 = affine_map<(d0, d1) -> (0)>
module attributes {stable_mosaic.version = 14 : i64} {
  func.func @_seg_mean_body(%arg0: i32, %arg1: i32, %arg2: memref<128x128xf32, #tpu.memory_space<hbm>>, %arg3: memref<128x128xi32, #tpu.memory_space<hbm>>, %arg4: memref<512xf32, #tpu.memory_space<hbm>>, %arg5: memref<8x128xi32, #tpu.memory_space<vmem>>, %arg6: memref<8x128xf32, #tpu.memory_space<vmem>>, %arg7: memref<128xf32, #tpu.memory_space<vmem>>, %arg8: memref<512xf32, #tpu.memory_space<vmem_shared>>, %arg9: memref<512xf32, #tpu.memory_space<vmem_shared>>, %arg10: memref<512xf32, #tpu.memory_space<vmem>>, %arg11: memref<512xf32, #tpu.memory_space<vmem>>, %arg12: memref<512xf32, #tpu.memory_space<vmem>>) attributes {dimension_semantics = [#tpu.dimension_semantics<core_parallel>, #tpu.dimension_semantics<subcore_parallel>], iteration_bounds = array<i64: 1, 16>, scalar_prefetch = 0 : i64, scratch_operands = 8 : i64, tpu.core_type = #tpu.core_type<sc_vector_subcore>, window_params = [{transform_indices = #map}, {transform_indices = #map}, {transform_indices = #map1}]} {
    %broadcast_in_dim3A = arith.constant 1.000000e+00 : f32
    %broadcast_in_dim3A_0 = vector.broadcast %broadcast_in_dim3A : f32 to vector<16xf32>
    %swap3A = arith.constant 0 : index
    %swap3A_1 = tpu.vector_load %arg7[%swap3A] {strides = array<i32>} : memref<128xf32, #tpu.memory_space<vmem>>, vector<16xf32>,
    %swap3A_2 = vector.shape_cast %swap3A_1 : vector<16xf32> to vector<16xf32>
    %swap3A_3 = vector.shape_cast %broadcast_in_dim3A_0 : vector<16xf32> to vector<16xf32>
    tpu.vector_store %arg7[%swap3A], %swap3A_3 {strides = array<i32>} : memref<128xf32, #tpu.memory_space<vmem>>, vector<16xf32>,
    %broadcast_in_dim3A_4 = arith.constant 1.000000e+00 : f32
    %broadcast_in_dim3A_5 = vector.broadcast %broadcast_in_dim3A_4 : f32 to vector<16xf32>
    %swap3A_6 = arith.constant 16 : index
    %swap3A_7 = tpu.vector_load %arg7[%swap3A_6] {strides = array<i32>} : memref<128xf32, #tpu.memory_space<vmem>>, vector<16xf32>,
    %swap3A_8 = vector.shape_cast %swap3A_7 : vector<16xf32> to vector<16xf32>
    %swap3A_9 = vector.shape_cast %broadcast_in_dim3A_5 : vector<16xf32> to vector<16xf32>
    tpu.vector_store %arg7[%swap3A_6], %swap3A_9 {strides = array<i32>} : memref<128xf32, #tpu.memory_space<vmem>>, vector<16xf32>,
    %broadcast_in_dim3A_10 = arith.constant 1.000000e+00 : f32
    %broadcast_in_dim3A_11 = vector.broadcast %broadcast_in_dim3A_10 : f32 to vector<16xf32>
    %swap3A_12 = arith.constant 32 : index
    %swap3A_13 = tpu.vector_load %arg7[%swap3A_12] {strides = array<i32>} : memref<128xf32, #tpu.memory_space<vmem>>, vector<16xf32>,
    %swap3A_14 = vector.shape_cast %swap3A_13 : vector<16xf32> to vector<16xf32>
    %swap3A_15 = vector.shape_cast %broadcast_in_dim3A_11 : vector<16xf32> to vector<16xf32>
    tpu.vector_store %arg7[%swap3A_12], %swap3A_15 {strides = array<i32>} : memref<128xf32, #tpu.memory_space<vmem>>, vector<16xf32>,
    %broadcast_in_dim3A_16 = arith.constant 1.000000e+00 : f32
    %broadcast_in_dim3A_17 = vector.broadcast %broadcast_in_dim3A_16 : f32 to vector<16xf32>
    %swap3A_18 = arith.constant 48 : index
    %swap3A_19 = tpu.vector_load %arg7[%swap3A_18] {strides = array<i32>} : memref<128xf32, #tpu.memory_space<vmem>>, vector<16xf32>,
    %swap3A_20 = vector.shape_cast %swap3A_19 : vector<16xf32> to vector<16xf32>
    %swap3A_21 = vector.shape_cast %broadcast_in_dim3A_17 : vector<16xf32> to vector<16xf32>
    tpu.vector_store %arg7[%swap3A_18], %swap3A_21 {strides = array<i32>} : memref<128xf32, #tpu.memory_space<vmem>>, vector<16xf32>,
    %broadcast_in_dim3A_22 = arith.constant 1.000000e+00 : f32
    %broadcast_in_dim3A_23 = vector.broadcast %broadcast_in_dim3A_22 : f32 to vector<16xf32>
    %swap3A_24 = arith.constant 64 : index
    %swap3A_25 = tpu.vector_load %arg7[%swap3A_24] {strides = array<i32>} : memref<128xf32, #tpu.memory_space<vmem>>, vector<16xf32>,
    %swap3A_26 = vector.shape_cast %swap3A_25 : vector<16xf32> to vector<16xf32>
    %swap3A_27 = vector.shape_cast %broadcast_in_dim3A_23 : vector<16xf32> to vector<16xf32>
    tpu.vector_store %arg7[%swap3A_24], %swap3A_27 {strides = array<i32>} : memref<128xf32, #tpu.memory_space<vmem>>, vector<16xf32>,
    %broadcast_in_dim3A_28 = arith.constant 1.000000e+00 : f32
    %broadcast_in_dim3A_29 = vector.broadcast %broadcast_in_dim3A_28 : f32 to vector<16xf32>
    %swap3A_30 = arith.constant 80 : index
    %swap3A_31 = tpu.vector_load %arg7[%swap3A_30] {strides = array<i32>} : memref<128xf32, #tpu.memory_space<vmem>>, vector<16xf32>,
    %swap3A_32 = vector.shape_cast %swap3A_31 : vector<16xf32> to vector<16xf32>
    %swap3A_33 = vector.shape_cast %broadcast_in_dim3A_29 : vector<16xf32> to vector<16xf32>
    tpu.vector_store %arg7[%swap3A_30], %swap3A_33 {strides = array<i32>} : memref<128xf32, #tpu.memory_space<vmem>>, vector<16xf32>,
    %broadcast_in_dim3A_34 = arith.constant 1.000000e+00 : f32
    %broadcast_in_dim3A_35 = vector.broadcast %broadcast_in_dim3A_34 : f32 to vector<16xf32>
    %swap3A_36 = arith.constant 96 : index
    %swap3A_37 = tpu.vector_load %arg7[%swap3A_36] {strides = array<i32>} : memref<128xf32, #tpu.memory_space<vmem>>, vector<16xf32>,
    %swap3A_38 = vector.shape_cast %swap3A_37 : vector<16xf32> to vector<16xf32>
    %swap3A_39 = vector.shape_cast %broadcast_in_dim3A_35 : vector<16xf32> to vector<16xf32>
    tpu.vector_store %arg7[%swap3A_36], %swap3A_39 {strides = array<i32>} : memref<128xf32, #tpu.memory_space<vmem>>, vector<16xf32>,
    %broadcast_in_dim3A_40 = arith.constant 1.000000e+00 : f32
    %broadcast_in_dim3A_41 = vector.broadcast %broadcast_in_dim3A_40 : f32 to vector<16xf32>
    %swap3A_42 = arith.constant 112 : index
    %swap3A_43 = tpu.vector_load %arg7[%swap3A_42] {strides = array<i32>} : memref<128xf32, #tpu.memory_space<vmem>>, vector<16xf32>,
    %swap3A_44 = vector.shape_cast %swap3A_43 : vector<16xf32> to vector<16xf32>
    %swap3A_45 = vector.shape_cast %broadcast_in_dim3A_41 : vector<16xf32> to vector<16xf32>
    tpu.vector_store %arg7[%swap3A_42], %swap3A_45 {strides = array<i32>} : memref<128xf32, #tpu.memory_space<vmem>>, vector<16xf32>,
    %eq3A = arith.constant 0 : i32
    %eq3A_46 = arith.cmpi eq, %arg1, %eq3A : i32
    %convert_element_type3A = arith.extui %eq3A_46 : i1 to i32
    %cond3A = arith.constant 0 : i32
    %cond3A_47 = arith.cmpi ne, %convert_element_type3A, %cond3A : i32
    scf.if %cond3A_47 {
      %broadcast_in_dim3A_78 = arith.constant 0.000000e+00 : f32
      %broadcast_in_dim3A_79 = vector.broadcast %broadcast_in_dim3A_78 : f32 to vector<16xf32>
      %swap3A_80 = arith.constant 0 : index
      %swap3A_81 = tpu.vector_load %arg12[%swap3A_80] {strides = array<i32>} : memref<512xf32, #tpu.memory_space<vmem>>, vector<16xf32>,
      %swap3A_82 = vector.shape_cast %swap3A_81 : vector<16xf32> to vector<16xf32>
      %swap3A_83 = vector.shape_cast %broadcast_in_dim3A_79 : vector<16xf32> to vector<16xf32>
      tpu.vector_store %arg12[%swap3A_80], %swap3A_83 {strides = array<i32>} : memref<512xf32, #tpu.memory_space<vmem>>, vector<16xf32>,
      %broadcast_in_dim3A_84 = arith.constant 0.000000e+00 : f32
      %broadcast_in_dim3A_85 = vector.broadcast %broadcast_in_dim3A_84 : f32 to vector<16xf32>
      %swap3A_86 = arith.constant 16 : index
      %swap3A_87 = tpu.vector_load %arg12[%swap3A_86] {strides = array<i32>} : memref<512xf32, #tpu.memory_space<vmem>>, vector<16xf32>,
      %swap3A_88 = vector.shape_cast %swap3A_87 : vector<16xf32> to vector<16xf32>
      %swap3A_89 = vector.shape_cast %broadcast_in_dim3A_85 : vector<16xf32> to vector<16xf32>
      tpu.vector_store %arg12[%swap3A_86], %swap3A_89 {strides = array<i32>} : memref<512xf32, #tpu.memory_space<vmem>>, vector<16xf32>,
      %broadcast_in_dim3A_90 = arith.constant 0.000000e+00 : f32
      %broadcast_in_dim3A_91 = vector.broadcast %broadcast_in_dim3A_90 : f32 to vector<16xf32>
      %swap3A_92 = arith.constant 32 : index
      %swap3A_93 = tpu.vector_load %arg12[%swap3A_92] {strides = array<i32>} : memref<512xf32, #tpu.memory_space<vmem>>, vector<16xf32>,
      %swap3A_94 = vector.shape_cast %swap3A_93 : vector<16xf32> to vector<16xf32>
      %swap3A_95 = vector.shape_cast %broadcast_in_dim3A_91 : vector<16xf32> to vector<16xf32>
      tpu.vector_store %arg12[%swap3A_92], %swap3A_95 {strides = array<i32>} : memref<512xf32, #tpu.memory_space<vmem>>, vector<16xf32>,
      %broadcast_in_dim3A_96 = arith.constant 0.000000e+00 : f32
      %broadcast_in_dim3A_97 = vector.broadcast %broadcast_in_dim3A_96 : f32 to vector<16xf32>
      %swap3A_98 = arith.constant 48 : index
      %swap3A_99 = tpu.vector_load %arg12[%swap3A_98] {strides = array<i32>} : memref<512xf32, #tpu.memory_space<vmem>>, vector<16xf32>,
      %swap3A_100 = vector.shape_cast %swap3A_99 : vector<16xf32> to vector<16xf32>
      %swap3A_101 = vector.shape_cast %broadcast_in_dim3A_97 : vector<16xf32> to vector<16xf32>
      tpu.vector_store %arg12[%swap3A_98], %swap3A_101 {strides = array<i32>} : memref<512xf32, #tpu.memory_space<vmem>>, vector<16xf32>,
      %broadcast_in_dim3A_102 = arith.constant 0.000000e+00 : f32
      %broadcast_in_dim3A_103 = vector.broadcast %broadcast_in_dim3A_102 : f32 to vector<16xf32>
      %swap3A_104 = arith.constant 64 : index
      %swap3A_105 = tpu.vector_load %arg12[%swap3A_104] {strides = array<i32>} : memref<512xf32, #tpu.memory_space<vmem>>, vector<16xf32>,
      %swap3A_106 = vector.shape_cast %swap3A_105 : vector<16xf32> to vector<16xf32>
      %swap3A_107 = vector.shape_cast %broadcast_in_dim3A_103 : vector<16xf32> to vector<16xf32>
      tpu.vector_store %arg12[%swap3A_104], %swap3A_107 {strides = array<i32>} : memref<512xf32, #tpu.memory_space<vmem>>, vector<16xf32>,
      %broadcast_in_dim3A_108 = arith.constant 0.000000e+00 : f32
      %broadcast_in_dim3A_109 = vector.broadcast %broadcast_in_dim3A_108 : f32 to vector<16xf32>
      %swap3A_110 = arith.constant 80 : index
      %swap3A_111 = tpu.vector_load %arg12[%swap3A_110] {strides = array<i32>} : memref<512xf32, #tpu.memory_space<vmem>>, vector<16xf32>,
      %swap3A_112 = vector.shape_cast %swap3A_111 : vector<16xf32> to vector<16xf32>
      %swap3A_113 = vector.shape_cast %broadcast_in_dim3A_109 : vector<16xf32> to vector<16xf32>
      tpu.vector_store %arg12[%swap3A_110], %swap3A_113 {strides = array<i32>} : memref<512xf32, #tpu.memory_space<vmem>>, vector<16xf32>,
      %broadcast_in_dim3A_114 = arith.constant 0.000000e+00 : f32
      %broadcast_in_dim3A_115 = vector.broadcast %broadcast_in_dim3A_114 : f32 to vector<16xf32>
      %swap3A_116 = arith.constant 96 : index
      %swap3A_117 = tpu.vector_load %arg12[%swap3A_116] {strides = array<i32>} : memref<512xf32, #tpu.memory_space<vmem>>, vector<16xf32>,
      %swap3A_118 = vector.shape_cast %swap3A_117 : vector<16xf32> to vector<16xf32>
      %swap3A_119 = vector.shape_cast %broadcast_in_dim3A_115 : vector<16xf32> to vector<16xf32>
      tpu.vector_store %arg12[%swap3A_116], %swap3A_119 {strides = array<i32>} : memref<512xf32, #tpu.memory_space<vmem>>, vector<16xf32>,
      %broadcast_in_dim3A_120 = arith.constant 0.000000e+00 : f32
      %broadcast_in_dim3A_121 = vector.broadcast %broadcast_in_dim3A_120 : f32 to vector<16xf32>
      %swap3A_122 = arith.constant 112 : index
      %swap3A_123 = tpu.vector_load %arg12[%swap3A_122] {strides = array<i32>} : memref<512xf32, #tpu.memory_space<vmem>>, vector<16xf32>,
      %swap3A_124 = vector.shape_cast %swap3A_123 : vector<16xf32> to vector<16xf32>
      %swap3A_125 = vector.shape_cast %broadcast_in_dim3A_121 : vector<16xf32> to vector<16xf32>
      tpu.vector_store %arg12[%swap3A_122], %swap3A_125 {strides = array<i32>} : memref<512xf32, #tpu.memory_space<vmem>>, vector<16xf32>,
      %broadcast_in_dim3A_126 = arith.constant 0.000000e+00 : f32
      %broadcast_in_dim3A_127 = vector.broadcast %broadcast_in_dim3A_126 : f32 to vector<16xf32>
      %swap3A_128 = arith.constant 128 : index
      %swap3A_129 = tpu.vector_load %arg12[%swap3A_128] {strides = array<i32>} : memref<512xf32, #tpu.memory_space<vmem>>, vector<16xf32>,
      %swap3A_130 = vector.shape_cast %swap3A_129 : vector<16xf32> to vector<16xf32>
      %swap3A_131 = vector.shape_cast %broadcast_in_dim3A_127 : vector<16xf32> to vector<16xf32>
      tpu.vector_store %arg12[%swap3A_128], %swap3A_131 {strides = array<i32>} : memref<512xf32, #tpu.memory_space<vmem>>, vector<16xf32>,
      %broadcast_in_dim3A_132 = arith.constant 0.000000e+00 : f32
      %broadcast_in_dim3A_133 = vector.broadcast %broadcast_in_dim3A_132 : f32 to vector<16xf32>
      %swap3A_134 = arith.constant 144 : index
      %swap3A_135 = tpu.vector_load %arg12[%swap3A_134] {strides = array<i32>} : memref<512xf32, #tpu.memory_space<vmem>>, vector<16xf32>,
      %swap3A_136 = vector.shape_cast %swap3A_135 : vector<16xf32> to vector<16xf32>
      %swap3A_137 = vector.shape_cast %broadcast_in_dim3A_133 : vector<16xf32> to vector<16xf32>
      tpu.vector_store %arg12[%swap3A_134], %swap3A_137 {strides = array<i32>} : memref<512xf32, #tpu.memory_space<vmem>>, vector<16xf32>,
      %broadcast_in_dim3A_138 = arith.constant 0.000000e+00 : f32
      %broadcast_in_dim3A_139 = vector.broadcast %broadcast_in_dim3A_138 : f32 to vector<16xf32>
      %swap3A_140 = arith.constant 160 : index
      %swap3A_141 = tpu.vector_load %arg12[%swap3A_140] {strides = array<i32>} : memref<512xf32, #tpu.memory_space<vmem>>, vector<16xf32>,
      %swap3A_142 = vector.shape_cast %swap3A_141 : vector<16xf32> to vector<16xf32>
      %swap3A_143 = vector.shape_cast %broadcast_in_dim3A_139 : vector<16xf32> to vector<16xf32>
      tpu.vector_store %arg12[%swap3A_140], %swap3A_143 {strides = array<i32>} : memref<512xf32, #tpu.memory_space<vmem>>, vector<16xf32>,
      %broadcast_in_dim3A_144 = arith.constant 0.000000e+00 : f32
      %broadcast_in_dim3A_145 = vector.broadcast %broadcast_in_dim3A_144 : f32 to vector<16xf32>
      %swap3A_146 = arith.constant 176 : index
      %swap3A_147 = tpu.vector_load %arg12[%swap3A_146] {strides = array<i32>} : memref<512xf32, #tpu.memory_space<vmem>>, vector<16xf32>,
      %swap3A_148 = vector.shape_cast %swap3A_147 : vector<16xf32> to vector<16xf32>
      %swap3A_149 = vector.shape_cast %broadcast_in_dim3A_145 : vector<16xf32> to vector<16xf32>
      tpu.vector_store %arg12[%swap3A_146], %swap3A_149 {strides = array<i32>} : memref<512xf32, #tpu.memory_space<vmem>>, vector<16xf32>,
      %broadcast_in_dim3A_150 = arith.constant 0.000000e+00 : f32
      %broadcast_in_dim3A_151 = vector.broadcast %broadcast_in_dim3A_150 : f32 to vector<16xf32>
      %swap3A_152 = arith.constant 192 : index
      %swap3A_153 = tpu.vector_load %arg12[%swap3A_152] {strides = array<i32>} : memref<512xf32, #tpu.memory_space<vmem>>, vector<16xf32>,
      %swap3A_154 = vector.shape_cast %swap3A_153 : vector<16xf32> to vector<16xf32>
      %swap3A_155 = vector.shape_cast %broadcast_in_dim3A_151 : vector<16xf32> to vector<16xf32>
      tpu.vector_store %arg12[%swap3A_152], %swap3A_155 {strides = array<i32>} : memref<512xf32, #tpu.memory_space<vmem>>, vector<16xf32>,
      %broadcast_in_dim3A_156 = arith.constant 0.000000e+00 : f32
      %broadcast_in_dim3A_157 = vector.broadcast %broadcast_in_dim3A_156 : f32 to vector<16xf32>
      %swap3A_158 = arith.constant 208 : index
      %swap3A_159 = tpu.vector_load %arg12[%swap3A_158] {strides = array<i32>} : memref<512xf32, #tpu.memory_space<vmem>>, vector<16xf32>,
      %swap3A_160 = vector.shape_cast %swap3A_159 : vector<16xf32> to vector<16xf32>
      %swap3A_161 = vector.shape_cast %broadcast_in_dim3A_157 : vector<16xf32> to vector<16xf32>
      tpu.vector_store %arg12[%swap3A_158], %swap3A_161 {strides = array<i32>} : memref<512xf32, #tpu.memory_space<vmem>>, vector<16xf32>,
      %broadcast_in_dim3A_162 = arith.constant 0.000000e+00 : f32
      %broadcast_in_dim3A_163 = vector.broadcast %broadcast_in_dim3A_162 : f32 to vector<16xf32>
      %swap3A_164 = arith.constant 224 : index
      %swap3A_165 = tpu.vector_load %arg12[%swap3A_164] {strides = array<i32>} : memref<512xf32, #tpu.memory_space<vmem>>, vector<16xf32>,
      %swap3A_166 = vector.shape_cast %swap3A_165 : vector<16xf32> to vector<16xf32>
      %swap3A_167 = vector.shape_cast %broadcast_in_dim3A_163 : vector<16xf32> to vector<16xf32>
      tpu.vector_store %arg12[%swap3A_164], %swap3A_167 {strides = array<i32>} : memref<512xf32, #tpu.memory_space<vmem>>, vector<16xf32>,
      %broadcast_in_dim3A_168 = arith.constant 0.000000e+00 : f32
      %broadcast_in_dim3A_169 = vector.broadcast %broadcast_in_dim3A_168 : f32 to vector<16xf32>
      %swap3A_170 = arith.constant 240 : index
      %swap3A_171 = tpu.vector_load %arg12[%swap3A_170] {strides = array<i32>} : memref<512xf32, #tpu.memory_space<vmem>>, vector<16xf32>,
      %swap3A_172 = vector.shape_cast %swap3A_171 : vector<16xf32> to vector<16xf32>
      %swap3A_173 = vector.shape_cast %broadcast_in_dim3A_169 : vector<16xf32> to vector<16xf32>
      tpu.vector_store %arg12[%swap3A_170], %swap3A_173 {strides = array<i32>} : memref<512xf32, #tpu.memory_space<vmem>>, vector<16xf32>,
      %broadcast_in_dim3A_174 = arith.constant 0.000000e+00 : f32
      %broadcast_in_dim3A_175 = vector.broadcast %broadcast_in_dim3A_174 : f32 to vector<16xf32>
      %swap3A_176 = arith.constant 256 : index
      %swap3A_177 = tpu.vector_load %arg12[%swap3A_176] {strides = array<i32>} : memref<512xf32, #tpu.memory_space<vmem>>, vector<16xf32>,
      %swap3A_178 = vector.shape_cast %swap3A_177 : vector<16xf32> to vector<16xf32>
      %swap3A_179 = vector.shape_cast %broadcast_in_dim3A_175 : vector<16xf32> to vector<16xf32>
      tpu.vector_store %arg12[%swap3A_176], %swap3A_179 {strides = array<i32>} : memref<512xf32, #tpu.memory_space<vmem>>, vector<16xf32>,
      %broadcast_in_dim3A_180 = arith.constant 0.000000e+00 : f32
      %broadcast_in_dim3A_181 = vector.broadcast %broadcast_in_dim3A_180 : f32 to vector<16xf32>
      %swap3A_182 = arith.constant 272 : index
      %swap3A_183 = tpu.vector_load %arg12[%swap3A_182] {strides = array<i32>} : memref<512xf32, #tpu.memory_space<vmem>>, vector<16xf32>,
      %swap3A_184 = vector.shape_cast %swap3A_183 : vector<16xf32> to vector<16xf32>
      %swap3A_185 = vector.shape_cast %broadcast_in_dim3A_181 : vector<16xf32> to vector<16xf32>
      tpu.vector_store %arg12[%swap3A_182], %swap3A_185 {strides = array<i32>} : memref<512xf32, #tpu.memory_space<vmem>>, vector<16xf32>,
      %broadcast_in_dim3A_186 = arith.constant 0.000000e+00 : f32
      %broadcast_in_dim3A_187 = vector.broadcast %broadcast_in_dim3A_186 : f32 to vector<16xf32>
      %swap3A_188 = arith.constant 288 : index
      %swap3A_189 = tpu.vector_load %arg12[%swap3A_188] {strides = array<i32>} : memref<512xf32, #tpu.memory_space<vmem>>, vector<16xf32>,
      %swap3A_190 = vector.shape_cast %swap3A_189 : vector<16xf32> to vector<16xf32>
      %swap3A_191 = vector.shape_cast %broadcast_in_dim3A_187 : vector<16xf32> to vector<16xf32>
      tpu.vector_store %arg12[%swap3A_188], %swap3A_191 {strides = array<i32>} : memref<512xf32, #tpu.memory_space<vmem>>, vector<16xf32>,
      %broadcast_in_dim3A_192 = arith.constant 0.000000e+00 : f32
      %broadcast_in_dim3A_193 = vector.broadcast %broadcast_in_dim3A_192 : f32 to vector<16xf32>
      %swap3A_194 = arith.constant 304 : index
      %swap3A_195 = tpu.vector_load %arg12[%swap3A_194] {strides = array<i32>} : memref<512xf32, #tpu.memory_space<vmem>>, vector<16xf32>,
      %swap3A_196 = vector.shape_cast %swap3A_195 : vector<16xf32> to vector<16xf32>
      %swap3A_197 = vector.shape_cast %broadcast_in_dim3A_193 : vector<16xf32> to vector<16xf32>
      tpu.vector_store %arg12[%swap3A_194], %swap3A_197 {strides = array<i32>} : memref<512xf32, #tpu.memory_space<vmem>>, vector<16xf32>,
      %broadcast_in_dim3A_198 = arith.constant 0.000000e+00 : f32
      %broadcast_in_dim3A_199 = vector.broadcast %broadcast_in_dim3A_198 : f32 to vector<16xf32>
      %swap3A_200 = arith.constant 320 : index
      %swap3A_201 = tpu.vector_load %arg12[%swap3A_200] {strides = array<i32>} : memref<512xf32, #tpu.memory_space<vmem>>, vector<16xf32>,
      %swap3A_202 = vector.shape_cast %swap3A_201 : vector<16xf32> to vector<16xf32>
      %swap3A_203 = vector.shape_cast %broadcast_in_dim3A_199 : vector<16xf32> to vector<16xf32>
      tpu.vector_store %arg12[%swap3A_200], %swap3A_203 {strides = array<i32>} : memref<512xf32, #tpu.memory_space<vmem>>, vector<16xf32>,
      %broadcast_in_dim3A_204 = arith.constant 0.000000e+00 : f32
      %broadcast_in_dim3A_205 = vector.broadcast %broadcast_in_dim3A_204 : f32 to vector<16xf32>
      %swap3A_206 = arith.constant 336 : index
      %swap3A_207 = tpu.vector_load %arg12[%swap3A_206] {strides = array<i32>} : memref<512xf32, #tpu.memory_space<vmem>>, vector<16xf32>,
      %swap3A_208 = vector.shape_cast %swap3A_207 : vector<16xf32> to vector<16xf32>
      %swap3A_209 = vector.shape_cast %broadcast_in_dim3A_205 : vector<16xf32> to vector<16xf32>
      tpu.vector_store %arg12[%swap3A_206], %swap3A_209 {strides = array<i32>} : memref<512xf32, #tpu.memory_space<vmem>>, vector<16xf32>,
      %broadcast_in_dim3A_210 = arith.constant 0.000000e+00 : f32
      %broadcast_in_dim3A_211 = vector.broadcast %broadcast_in_dim3A_210 : f32 to vector<16xf32>
      %swap3A_212 = arith.constant 352 : index
      %swap3A_213 = tpu.vector_load %arg12[%swap3A_212] {strides = array<i32>} : memref<512xf32, #tpu.memory_space<vmem>>, vector<16xf32>,
      %swap3A_214 = vector.shape_cast %swap3A_213 : vector<16xf32> to vector<16xf32>
      %swap3A_215 = vector.shape_cast %broadcast_in_dim3A_211 : vector<16xf32> to vector<16xf32>
      tpu.vector_store %arg12[%swap3A_212], %swap3A_215 {strides = array<i32>} : memref<512xf32, #tpu.memory_space<vmem>>, vector<16xf32>,
      %broadcast_in_dim3A_216 = arith.constant 0.000000e+00 : f32
      %broadcast_in_dim3A_217 = vector.broadcast %broadcast_in_dim3A_216 : f32 to vector<16xf32>
      %swap3A_218 = arith.constant 368 : index
      %swap3A_219 = tpu.vector_load %arg12[%swap3A_218] {strides = array<i32>} : memref<512xf32, #tpu.memory_space<vmem>>, vector<16xf32>,
      %swap3A_220 = vector.shape_cast %swap3A_219 : vector<16xf32> to vector<16xf32>
      %swap3A_221 = vector.shape_cast %broadcast_in_dim3A_217 : vector<16xf32> to vector<16xf32>
      tpu.vector_store %arg12[%swap3A_218], %swap3A_221 {strides = array<i32>} : memref<512xf32, #tpu.memory_space<vmem>>, vector<16xf32>,
      %broadcast_in_dim3A_222 = arith.constant 0.000000e+00 : f32
      %broadcast_in_dim3A_223 = vector.broadcast %broadcast_in_dim3A_222 : f32 to vector<16xf32>
      %swap3A_224 = arith.constant 384 : index
      %swap3A_225 = tpu.vector_load %arg12[%swap3A_224] {strides = array<i32>} : memref<512xf32, #tpu.memory_space<vmem>>, vector<16xf32>,
      %swap3A_226 = vector.shape_cast %swap3A_225 : vector<16xf32> to vector<16xf32>
      %swap3A_227 = vector.shape_cast %broadcast_in_dim3A_223 : vector<16xf32> to vector<16xf32>
      tpu.vector_store %arg12[%swap3A_224], %swap3A_227 {strides = array<i32>} : memref<512xf32, #tpu.memory_space<vmem>>, vector<16xf32>,
      %broadcast_in_dim3A_228 = arith.constant 0.000000e+00 : f32
      %broadcast_in_dim3A_229 = vector.broadcast %broadcast_in_dim3A_228 : f32 to vector<16xf32>
      %swap3A_230 = arith.constant 400 : index
      %swap3A_231 = tpu.vector_load %arg12[%swap3A_230] {strides = array<i32>} : memref<512xf32, #tpu.memory_space<vmem>>, vector<16xf32>,
      %swap3A_232 = vector.shape_cast %swap3A_231 : vector<16xf32> to vector<16xf32>
      %swap3A_233 = vector.shape_cast %broadcast_in_dim3A_229 : vector<16xf32> to vector<16xf32>
      tpu.vector_store %arg12[%swap3A_230], %swap3A_233 {strides = array<i32>} : memref<512xf32, #tpu.memory_space<vmem>>, vector<16xf32>,
      %broadcast_in_dim3A_234 = arith.constant 0.000000e+00 : f32
      %broadcast_in_dim3A_235 = vector.broadcast %broadcast_in_dim3A_234 : f32 to vector<16xf32>
      %swap3A_236 = arith.constant 416 : index
      %swap3A_237 = tpu.vector_load %arg12[%swap3A_236] {strides = array<i32>} : memref<512xf32, #tpu.memory_space<vmem>>, vector<16xf32>,
      %swap3A_238 = vector.shape_cast %swap3A_237 : vector<16xf32> to vector<16xf32>
      %swap3A_239 = vector.shape_cast %broadcast_in_dim3A_235 : vector<16xf32> to vector<16xf32>
      tpu.vector_store %arg12[%swap3A_236], %swap3A_239 {strides = array<i32>} : memref<512xf32, #tpu.memory_space<vmem>>, vector<16xf32>,
      %broadcast_in_dim3A_240 = arith.constant 0.000000e+00 : f32
      %broadcast_in_dim3A_241 = vector.broadcast %broadcast_in_dim3A_240 : f32 to vector<16xf32>
      %swap3A_242 = arith.constant 432 : index
      %swap3A_243 = tpu.vector_load %arg12[%swap3A_242] {strides = array<i32>} : memref<512xf32, #tpu.memory_space<vmem>>, vector<16xf32>,
      %swap3A_244 = vector.shape_cast %swap3A_243 : vector<16xf32> to vector<16xf32>
      %swap3A_245 = vector.shape_cast %broadcast_in_dim3A_241 : vector<16xf32> to vector<16xf32>
      tpu.vector_store %arg12[%swap3A_242], %swap3A_245 {strides = array<i32>} : memref<512xf32, #tpu.memory_space<vmem>>, vector<16xf32>,
      %broadcast_in_dim3A_246 = arith.constant 0.000000e+00 : f32
      %broadcast_in_dim3A_247 = vector.broadcast %broadcast_in_dim3A_246 : f32 to vector<16xf32>
      %swap3A_248 = arith.constant 448 : index
      %swap3A_249 = tpu.vector_load %arg12[%swap3A_248] {strides = array<i32>} : memref<512xf32, #tpu.memory_space<vmem>>, vector<16xf32>,
      %swap3A_250 = vector.shape_cast %swap3A_249 : vector<16xf32> to vector<16xf32>
      %swap3A_251 = vector.shape_cast %broadcast_in_dim3A_247 : vector<16xf32> to vector<16xf32>
      tpu.vector_store %arg12[%swap3A_248], %swap3A_251 {strides = array<i32>} : memref<512xf32, #tpu.memory_space<vmem>>, vector<16xf32>,
      %broadcast_in_dim3A_252 = arith.constant 0.000000e+00 : f32
      %broadcast_in_dim3A_253 = vector.broadcast %broadcast_in_dim3A_252 : f32 to vector<16xf32>
      %swap3A_254 = arith.constant 464 : index
      %swap3A_255 = tpu.vector_load %arg12[%swap3A_254] {strides = array<i32>} : memref<512xf32, #tpu.memory_space<vmem>>, vector<16xf32>,
      %swap3A_256 = vector.shape_cast %swap3A_255 : vector<16xf32> to vector<16xf32>
      %swap3A_257 = vector.shape_cast %broadcast_in_dim3A_253 : vector<16xf32> to vector<16xf32>
      tpu.vector_store %arg12[%swap3A_254], %swap3A_257 {strides = array<i32>} : memref<512xf32, #tpu.memory_space<vmem>>, vector<16xf32>,
      %broadcast_in_dim3A_258 = arith.constant 0.000000e+00 : f32
      %broadcast_in_dim3A_259 = vector.broadcast %broadcast_in_dim3A_258 : f32 to vector<16xf32>
      %swap3A_260 = arith.constant 480 : index
      %swap3A_261 = tpu.vector_load %arg12[%swap3A_260] {strides = array<i32>} : memref<512xf32, #tpu.memory_space<vmem>>, vector<16xf32>,
      %swap3A_262 = vector.shape_cast %swap3A_261 : vector<16xf32> to vector<16xf32>
      %swap3A_263 = vector.shape_cast %broadcast_in_dim3A_259 : vector<16xf32> to vector<16xf32>
      tpu.vector_store %arg12[%swap3A_260], %swap3A_263 {strides = array<i32>} : memref<512xf32, #tpu.memory_space<vmem>>, vector<16xf32>,
      %broadcast_in_dim3A_264 = arith.constant 0.000000e+00 : f32
      %broadcast_in_dim3A_265 = vector.broadcast %broadcast_in_dim3A_264 : f32 to vector<16xf32>
      %swap3A_266 = arith.constant 496 : index
      %swap3A_267 = tpu.vector_load %arg12[%swap3A_266] {strides = array<i32>} : memref<512xf32, #tpu.memory_space<vmem>>, vector<16xf32>,
      %swap3A_268 = vector.shape_cast %swap3A_267 : vector<16xf32> to vector<16xf32>
      %swap3A_269 = vector.shape_cast %broadcast_in_dim3A_265 : vector<16xf32> to vector<16xf32>
      tpu.vector_store %arg12[%swap3A_266], %swap3A_269 {strides = array<i32>} : memref<512xf32, #tpu.memory_space<vmem>>, vector<16xf32>,
      "tpu.region"() ({
        %run_scoped3A_270 = tpu.sem_alloc : memref<!tpu.dma_semaphore, #tpu.memory_space<semaphore_mem>>
        tpu.enqueue_dma source(%arg12 : memref<512xf32, #tpu.memory_space<vmem>>) target(%arg8 : memref<512xf32, #tpu.memory_space<vmem_shared>>) target_semaphore(%run_scoped3A_270 : memref<!tpu.dma_semaphore, #tpu.memory_space<semaphore_mem>>)
        tpu.wait_dma2 semaphore(%run_scoped3A_270 : memref<!tpu.dma_semaphore, #tpu.memory_space<semaphore_mem>>) src(%arg12 : memref<512xf32, #tpu.memory_space<vmem>>) dst(%arg8 : memref<512xf32, #tpu.memory_space<vmem_shared>>)
        tpu.yield
      }) : () -> ()
      "tpu.region"() ({
        %run_scoped3A_270 = tpu.sem_alloc : memref<!tpu.dma_semaphore, #tpu.memory_space<semaphore_mem>>
        tpu.enqueue_dma source(%arg12 : memref<512xf32, #tpu.memory_space<vmem>>) target(%arg9 : memref<512xf32, #tpu.memory_space<vmem_shared>>) target_semaphore(%run_scoped3A_270 : memref<!tpu.dma_semaphore, #tpu.memory_space<semaphore_mem>>)
        tpu.wait_dma2 semaphore(%run_scoped3A_270 : memref<!tpu.dma_semaphore, #tpu.memory_space<semaphore_mem>>) src(%arg12 : memref<512xf32, #tpu.memory_space<vmem>>) dst(%arg9 : memref<512xf32, #tpu.memory_space<vmem_shared>>)
        tpu.yield
      }) : () -> ()
    } else {
    }
    %mul3A = arith.constant 8 : i32
    %mul3A_48 = arith.muli %arg1, %mul3A : i32
    %multiple_of3A = tpu.assume_multiple %mul3A_48, 8 : i32
    "tpu.region"() ({
      %run_scoped3A_78 = tpu.sem_alloc : memref<!tpu.dma_semaphore, #tpu.memory_space<semaphore_mem>>
      %dma_start3A = arith.constant 0 : i32
      %dma_start3A_79 = tpu.memref_slice %arg3[%multiple_of3A, %dma_start3A] : memref<128x128xi32, #tpu.memory_space<hbm>> -> memref<8x128xi32, #tpu.memory_space<hbm>>
      %dma_start3A_80 = arith.constant 0 : i32
      %dma_start3A_81 = tpu.memref_slice %arg3[%multiple_of3A, %dma_start3A_80] : memref<128x128xi32, #tpu.memory_space<hbm>> -> memref<8x128xi32, #tpu.memory_space<hbm>>
      tpu.enqueue_dma source(%dma_start3A_81 : memref<8x128xi32, #tpu.memory_space<hbm>>) target(%arg5 : memref<8x128xi32, #tpu.memory_space<vmem>>) target_semaphore(%run_scoped3A_78 : memref<!tpu.dma_semaphore, #tpu.memory_space<semaphore_mem>>)
      %dma_wait3A = arith.constant 0 : i32
      %dma_wait3A_82 = tpu.memref_slice %arg3[%multiple_of3A, %dma_wait3A] : memref<128x128xi32, #tpu.memory_space<hbm>> -> memref<8x128xi32, #tpu.memory_space<hbm>>
      %dma_wait3A_83 = arith.constant 0 : i32
      %dma_wait3A_84 = tpu.memref_slice %arg3[%multiple_of3A, %dma_wait3A_83] : memref<128x128xi32, #tpu.memory_space<hbm>> -> memref<8x128xi32, #tpu.memory_space<hbm>>
      tpu.wait_dma2 semaphore(%run_scoped3A_78 : memref<!tpu.dma_semaphore, #tpu.memory_space<semaphore_mem>>) src(%dma_wait3A_84 : memref<8x128xi32, #tpu.memory_space<hbm>>) dst(%arg5 : memref<8x128xi32, #tpu.memory_space<vmem>>)
      tpu.yield
    }) : () -> ()
    "tpu.region"() ({
      %run_scoped3A_78 = tpu.sem_alloc : memref<!tpu.dma_semaphore, #tpu.memory_space<semaphore_mem>>
      %dma_start3A = arith.constant 0 : i32
      %dma_start3A_79 = tpu.memref_slice %arg2[%multiple_of3A, %dma_start3A] : memref<128x128xf32, #tpu.memory_space<hbm>> -> memref<8x128xf32, #tpu.memory_space<hbm>>
      %dma_start3A_80 = arith.constant 0 : i32
      %dma_start3A_81 = tpu.memref_slice %arg2[%multiple_of3A, %dma_start3A_80] : memref<128x128xf32, #tpu.memory_space<hbm>> -> memref<8x128xf32, #tpu.memory_space<hbm>>
      tpu.enqueue_dma source(%dma_start3A_81 : memref<8x128xf32, #tpu.memory_space<hbm>>) target(%arg6 : memref<8x128xf32, #tpu.memory_space<vmem>>) target_semaphore(%run_scoped3A_78 : memref<!tpu.dma_semaphore, #tpu.memory_space<semaphore_mem>>)
      %dma_wait3A = arith.constant 0 : i32
      %dma_wait3A_82 = tpu.memref_slice %arg2[%multiple_of3A, %dma_wait3A] : memref<128x128xf32, #tpu.memory_space<hbm>> -> memref<8x128xf32, #tpu.memory_space<hbm>>
      %dma_wait3A_83 = arith.constant 0 : i32
      %dma_wait3A_84 = tpu.memref_slice %arg2[%multiple_of3A, %dma_wait3A_83] : memref<128x128xf32, #tpu.memory_space<hbm>> -> memref<8x128xf32, #tpu.memory_space<hbm>>
      tpu.wait_dma2 semaphore(%run_scoped3A_78 : memref<!tpu.dma_semaphore, #tpu.memory_space<semaphore_mem>>) src(%dma_wait3A_84 : memref<8x128xf32, #tpu.memory_space<hbm>>) dst(%arg6 : memref<8x128xf32, #tpu.memory_space<vmem>>)
      tpu.yield
    }) : () -> ()
    %barrier3A = arith.constant 0 : index
    tpu.barrier barrier_id(%barrier3A)
    %run_scoped3A = arith.constant 0 : i32
    %run_scoped3A_49 = arith.constant 0 : i32
    "tpu.region"() ({
      %run_scoped3A_78 = tpu.sem_alloc : memref<!tpu.dma_semaphore, #tpu.memory_space<semaphore_mem>>
      %dma_start3A = arith.constant 0 : i32
      %dma_start3A_79 = tpu.memref_slice %arg6[%run_scoped3A, %dma_start3A] : memref<8x128xf32, #tpu.memory_space<vmem>> -> memref<1x128xf32, #tpu.memory_space<vmem>>
      %dma_start3A_80 = tpu.memref_squeeze %dma_start3A_79 : memref<1x128xf32, #tpu.memory_space<vmem>> -> memref<128xf32, #tpu.memory_space<vmem>>
      %dma_start3A_81 = arith.constant 0 : i32
      %dma_start3A_82 = tpu.memref_slice %arg5[%run_scoped3A_49, %dma_start3A_81] : memref<8x128xi32, #tpu.memory_space<vmem>> -> memref<1x128xi32, #tpu.memory_space<vmem>>
      %dma_start3A_83 = tpu.memref_squeeze %dma_start3A_82 : memref<1x128xi32, #tpu.memory_space<vmem>> -> memref<128xi32, #tpu.memory_space<vmem>>
      %dma_start3A_84 = arith.constant 0 : i32
      %dma_start3A_85 = tpu.memref_slice %arg8[%dma_start3A_84] : memref<512xf32, #tpu.memory_space<vmem_shared>> -> memref<512xf32, #tpu.memory_space<vmem_shared>>
      tpu.enqueue_indirect_dma source(%dma_start3A_80 : memref<128xf32, #tpu.memory_space<vmem>>) target(%dma_start3A_85 : memref<512xf32, #tpu.memory_space<vmem_shared>>) offsets(%dma_start3A_83 : memref<128xi32, #tpu.memory_space<vmem>>) semaphore(%run_scoped3A_78 : memref<!tpu.dma_semaphore, #tpu.memory_space<semaphore_mem>>) {add = true}
      %dma_wait3A = arith.constant 0 : i32
      %dma_wait3A_86 = tpu.memref_slice %arg6[%run_scoped3A, %dma_wait3A] : memref<8x128xf32, #tpu.memory_space<vmem>> -> memref<1x128xf32, #tpu.memory_space<vmem>>
      %dma_wait3A_87 = tpu.memref_squeeze %dma_wait3A_86 : memref<1x128xf32, #tpu.memory_space<vmem>> -> memref<128xf32, #tpu.memory_space<vmem>>
      %dma_wait3A_88 = arith.constant 0 : i32
      %dma_wait3A_89 = tpu.memref_slice %arg5[%run_scoped3A_49, %dma_wait3A_88] : memref<8x128xi32, #tpu.memory_space<vmem>> -> memref<1x128xi32, #tpu.memory_space<vmem>>
      %dma_wait3A_90 = tpu.memref_squeeze %dma_wait3A_89 : memref<1x128xi32, #tpu.memory_space<vmem>> -> memref<128xi32, #tpu.memory_space<vmem>>
      %dma_wait3A_91 = arith.constant 0 : i32
      %dma_wait3A_92 = tpu.memref_slice %arg8[%dma_wait3A_91] : memref<512xf32, #tpu.memory_space<vmem_shared>> -> memref<512xf32, #tpu.memory_space<vmem_shared>>
      tpu.wait_indirect_dma semaphore(%run_scoped3A_78 : memref<!tpu.dma_semaphore, #tpu.memory_space<semaphore_mem>>) src(%dma_wait3A_87 : memref<128xf32, #tpu.memory_space<vmem>>) dst(%dma_wait3A_92 : memref<512xf32, #tpu.memory_space<vmem_shared>>)
      tpu.yield
    }) : () -> ()
    %run_scoped3A_50 = arith.constant 0 : i32
    "tpu.region"() ({
      %run_scoped3A_78 = tpu.sem_alloc : memref<!tpu.dma_semaphore, #tpu.memory_space<semaphore_mem>>
      %dma_start3A = arith.constant 0 : i32
      %dma_start3A_79 = tpu.memref_slice %arg5[%run_scoped3A_50, %dma_start3A] : memref<8x128xi32, #tpu.memory_space<vmem>> -> memref<1x128xi32, #tpu.memory_space<vmem>>
      %dma_start3A_80 = tpu.memref_squeeze %dma_start3A_79 : memref<1x128xi32, #tpu.memory_space<vmem>> -> memref<128xi32, #tpu.memory_space<vmem>>
      %dma_start3A_81 = arith.constant 0 : i32
      %dma_start3A_82 = tpu.memref_slice %arg9[%dma_start3A_81] : memref<512xf32, #tpu.memory_space<vmem_shared>> -> memref<512xf32, #tpu.memory_space<vmem_shared>>
      tpu.enqueue_indirect_dma source(%arg7 : memref<128xf32, #tpu.memory_space<vmem>>) target(%dma_start3A_82 : memref<512xf32, #tpu.memory_space<vmem_shared>>) offsets(%dma_start3A_80 : memref<128xi32, #tpu.memory_space<vmem>>) semaphore(%run_scoped3A_78 : memref<!tpu.dma_semaphore, #tpu.memory_space<semaphore_mem>>) {add = true}
      %dma_wait3A = arith.constant 0 : i32
      %dma_wait3A_83 = tpu.memref_slice %arg5[%run_scoped3A_50, %dma_wait3A] : memref<8x128xi32, #tpu.memory_space<vmem>> -> memref<1x128xi32, #tpu.memory_space<vmem>>
      %dma_wait3A_84 = tpu.memref_squeeze %dma_wait3A_83 : memref<1x128xi32, #tpu.memory_space<vmem>> -> memref<128xi32, #tpu.memory_space<vmem>>
      %dma_wait3A_85 = arith.constant 0 : i32
      %dma_wait3A_86 = tpu.memref_slice %arg9[%dma_wait3A_85] : memref<512xf32, #tpu.memory_space<vmem_shared>> -> memref<512xf32, #tpu.memory_space<vmem_shared>>
      tpu.wait_indirect_dma semaphore(%run_scoped3A_78 : memref<!tpu.dma_semaphore, #tpu.memory_space<semaphore_mem>>) src(%arg7 : memref<128xf32, #tpu.memory_space<vmem>>) dst(%dma_wait3A_86 : memref<512xf32, #tpu.memory_space<vmem_shared>>)
      tpu.yield
    }) : () -> ()
    %run_scoped3A_51 = arith.constant 1 : i32
    %run_scoped3A_52 = arith.constant 1 : i32
    "tpu.region"() ({
      %run_scoped3A_78 = tpu.sem_alloc : memref<!tpu.dma_semaphore, #tpu.memory_space<semaphore_mem>>
      %dma_start3A = arith.constant 0 : i32
      %dma_start3A_79 = tpu.memref_slice %arg6[%run_scoped3A_51, %dma_start3A] : memref<8x128xf32, #tpu.memory_space<vmem>> -> memref<1x128xf32, #tpu.memory_space<vmem>>
      %dma_start3A_80 = tpu.memref_squeeze %dma_start3A_79 : memref<1x128xf32, #tpu.memory_space<vmem>> -> memref<128xf32, #tpu.memory_space<vmem>>
      %dma_start3A_81 = arith.constant 0 : i32
      %dma_start3A_82 = tpu.memref_slice %arg5[%run_scoped3A_52, %dma_start3A_81] : memref<8x128xi32, #tpu.memory_space<vmem>> -> memref<1x128xi32, #tpu.memory_space<vmem>>
      %dma_start3A_83 = tpu.memref_squeeze %dma_start3A_82 : memref<1x128xi32, #tpu.memory_space<vmem>> -> memref<128xi32, #tpu.memory_space<vmem>>
      %dma_start3A_84 = arith.constant 0 : i32
      %dma_start3A_85 = tpu.memref_slice %arg8[%dma_start3A_84] : memref<512xf32, #tpu.memory_space<vmem_shared>> -> memref<512xf32, #tpu.memory_space<vmem_shared>>
      tpu.enqueue_indirect_dma source(%dma_start3A_80 : memref<128xf32, #tpu.memory_space<vmem>>) target(%dma_start3A_85 : memref<512xf32, #tpu.memory_space<vmem_shared>>) offsets(%dma_start3A_83 : memref<128xi32, #tpu.memory_space<vmem>>) semaphore(%run_scoped3A_78 : memref<!tpu.dma_semaphore, #tpu.memory_space<semaphore_mem>>) {add = true}
      %dma_wait3A = arith.constant 0 : i32
      %dma_wait3A_86 = tpu.memref_slice %arg6[%run_scoped3A_51, %dma_wait3A] : memref<8x128xf32, #tpu.memory_space<vmem>> -> memref<1x128xf32, #tpu.memory_space<vmem>>
      %dma_wait3A_87 = tpu.memref_squeeze %dma_wait3A_86 : memref<1x128xf32, #tpu.memory_space<vmem>> -> memref<128xf32, #tpu.memory_space<vmem>>
      %dma_wait3A_88 = arith.constant 0 : i32
      %dma_wait3A_89 = tpu.memref_slice %arg5[%run_scoped3A_52, %dma_wait3A_88] : memref<8x128xi32, #tpu.memory_space<vmem>> -> memref<1x128xi32, #tpu.memory_space<vmem>>
      %dma_wait3A_90 = tpu.memref_squeeze %dma_wait3A_89 : memref<1x128xi32, #tpu.memory_space<vmem>> -> memref<128xi32, #tpu.memory_space<vmem>>
      %dma_wait3A_91 = arith.constant 0 : i32
      %dma_wait3A_92 = tpu.memref_slice %arg8[%dma_wait3A_91] : memref<512xf32, #tpu.memory_space<vmem_shared>> -> memref<512xf32, #tpu.memory_space<vmem_shared>>
      tpu.wait_indirect_dma semaphore(%run_scoped3A_78 : memref<!tpu.dma_semaphore, #tpu.memory_space<semaphore_mem>>) src(%dma_wait3A_87 : memref<128xf32, #tpu.memory_space<vmem>>) dst(%dma_wait3A_92 : memref<512xf32, #tpu.memory_space<vmem_shared>>)
      tpu.yield
    }) : () -> ()
    %run_scoped3A_53 = arith.constant 1 : i32
    "tpu.region"() ({
      %run_scoped3A_78 = tpu.sem_alloc : memref<!tpu.dma_semaphore, #tpu.memory_space<semaphore_mem>>
      %dma_start3A = arith.constant 0 : i32
      %dma_start3A_79 = tpu.memref_slice %arg5[%run_scoped3A_53, %dma_start3A] : memref<8x128xi32, #tpu.memory_space<vmem>> -> memref<1x128xi32, #tpu.memory_space<vmem>>
      %dma_start3A_80 = tpu.memref_squeeze %dma_start3A_79 : memref<1x128xi32, #tpu.memory_space<vmem>> -> memref<128xi32, #tpu.memory_space<vmem>>
      %dma_start3A_81 = arith.constant 0 : i32
      %dma_start3A_82 = tpu.memref_slice %arg9[%dma_start3A_81] : memref<512xf32, #tpu.memory_space<vmem_shared>> -> memref<512xf32, #tpu.memory_space<vmem_shared>>
      tpu.enqueue_indirect_dma source(%arg7 : memref<128xf32, #tpu.memory_space<vmem>>) target(%dma_start3A_82 : memref<512xf32, #tpu.memory_space<vmem_shared>>) offsets(%dma_start3A_80 : memref<128xi32, #tpu.memory_space<vmem>>) semaphore(%run_scoped3A_78 : memref<!tpu.dma_semaphore, #tpu.memory_space<semaphore_mem>>) {add = true}
      %dma_wait3A = arith.constant 0 : i32
      %dma_wait3A_83 = tpu.memref_slice %arg5[%run_scoped3A_53, %dma_wait3A] : memref<8x128xi32, #tpu.memory_space<vmem>> -> memref<1x128xi32, #tpu.memory_space<vmem>>
      %dma_wait3A_84 = tpu.memref_squeeze %dma_wait3A_83 : memref<1x128xi32, #tpu.memory_space<vmem>> -> memref<128xi32, #tpu.memory_space<vmem>>
      %dma_wait3A_85 = arith.constant 0 : i32
      %dma_wait3A_86 = tpu.memref_slice %arg9[%dma_wait3A_85] : memref<512xf32, #tpu.memory_space<vmem_shared>> -> memref<512xf32, #tpu.memory_space<vmem_shared>>
      tpu.wait_indirect_dma semaphore(%run_scoped3A_78 : memref<!tpu.dma_semaphore, #tpu.memory_space<semaphore_mem>>) src(%arg7 : memref<128xf32, #tpu.memory_space<vmem>>) dst(%dma_wait3A_86 : memref<512xf32, #tpu.memory_space<vmem_shared>>)
      tpu.yield
    }) : () -> ()
    %run_scoped3A_54 = arith.constant 2 : i32
    %run_scoped3A_55 = arith.constant 2 : i32
    "tpu.region"() ({
      %run_scoped3A_78 = tpu.sem_alloc : memref<!tpu.dma_semaphore, #tpu.memory_space<semaphore_mem>>
      %dma_start3A = arith.constant 0 : i32
      %dma_start3A_79 = tpu.memref_slice %arg6[%run_scoped3A_54, %dma_start3A] : memref<8x128xf32, #tpu.memory_space<vmem>> -> memref<1x128xf32, #tpu.memory_space<vmem>>
      %dma_start3A_80 = tpu.memref_squeeze %dma_start3A_79 : memref<1x128xf32, #tpu.memory_space<vmem>> -> memref<128xf32, #tpu.memory_space<vmem>>
      %dma_start3A_81 = arith.constant 0 : i32
      %dma_start3A_82 = tpu.memref_slice %arg5[%run_scoped3A_55, %dma_start3A_81] : memref<8x128xi32, #tpu.memory_space<vmem>> -> memref<1x128xi32, #tpu.memory_space<vmem>>
      %dma_start3A_83 = tpu.memref_squeeze %dma_start3A_82 : memref<1x128xi32, #tpu.memory_space<vmem>> -> memref<128xi32, #tpu.memory_space<vmem>>
      %dma_start3A_84 = arith.constant 0 : i32
      %dma_start3A_85 = tpu.memref_slice %arg8[%dma_start3A_84] : memref<512xf32, #tpu.memory_space<vmem_shared>> -> memref<512xf32, #tpu.memory_space<vmem_shared>>
      tpu.enqueue_indirect_dma source(%dma_start3A_80 : memref<128xf32, #tpu.memory_space<vmem>>) target(%dma_start3A_85 : memref<512xf32, #tpu.memory_space<vmem_shared>>) offsets(%dma_start3A_83 : memref<128xi32, #tpu.memory_space<vmem>>) semaphore(%run_scoped3A_78 : memref<!tpu.dma_semaphore, #tpu.memory_space<semaphore_mem>>) {add = true}
      %dma_wait3A = arith.constant 0 : i32
      %dma_wait3A_86 = tpu.memref_slice %arg6[%run_scoped3A_54, %dma_wait3A] : memref<8x128xf32, #tpu.memory_space<vmem>> -> memref<1x128xf32, #tpu.memory_space<vmem>>
      %dma_wait3A_87 = tpu.memref_squeeze %dma_wait3A_86 : memref<1x128xf32, #tpu.memory_space<vmem>> -> memref<128xf32, #tpu.memory_space<vmem>>
      %dma_wait3A_88 = arith.constant 0 : i32
      %dma_wait3A_89 = tpu.memref_slice %arg5[%run_scoped3A_55, %dma_wait3A_88] : memref<8x128xi32, #tpu.memory_space<vmem>> -> memref<1x128xi32, #tpu.memory_space<vmem>>
      %dma_wait3A_90 = tpu.memref_squeeze %dma_wait3A_89 : memref<1x128xi32, #tpu.memory_space<vmem>> -> memref<128xi32, #tpu.memory_space<vmem>>
      %dma_wait3A_91 = arith.constant 0 : i32
      %dma_wait3A_92 = tpu.memref_slice %arg8[%dma_wait3A_91] : memref<512xf32, #tpu.memory_space<vmem_shared>> -> memref<512xf32, #tpu.memory_space<vmem_shared>>
      tpu.wait_indirect_dma semaphore(%run_scoped3A_78 : memref<!tpu.dma_semaphore, #tpu.memory_space<semaphore_mem>>) src(%dma_wait3A_87 : memref<128xf32, #tpu.memory_space<vmem>>) dst(%dma_wait3A_92 : memref<512xf32, #tpu.memory_space<vmem_shared>>)
      tpu.yield
    }) : () -> ()
    %run_scoped3A_56 = arith.constant 2 : i32
    "tpu.region"() ({
      %run_scoped3A_78 = tpu.sem_alloc : memref<!tpu.dma_semaphore, #tpu.memory_space<semaphore_mem>>
      %dma_start3A = arith.constant 0 : i32
      %dma_start3A_79 = tpu.memref_slice %arg5[%run_scoped3A_56, %dma_start3A] : memref<8x128xi32, #tpu.memory_space<vmem>> -> memref<1x128xi32, #tpu.memory_space<vmem>>
      %dma_start3A_80 = tpu.memref_squeeze %dma_start3A_79 : memref<1x128xi32, #tpu.memory_space<vmem>> -> memref<128xi32, #tpu.memory_space<vmem>>
      %dma_start3A_81 = arith.constant 0 : i32
      %dma_start3A_82 = tpu.memref_slice %arg9[%dma_start3A_81] : memref<512xf32, #tpu.memory_space<vmem_shared>> -> memref<512xf32, #tpu.memory_space<vmem_shared>>
      tpu.enqueue_indirect_dma source(%arg7 : memref<128xf32, #tpu.memory_space<vmem>>) target(%dma_start3A_82 : memref<512xf32, #tpu.memory_space<vmem_shared>>) offsets(%dma_start3A_80 : memref<128xi32, #tpu.memory_space<vmem>>) semaphore(%run_scoped3A_78 : memref<!tpu.dma_semaphore, #tpu.memory_space<semaphore_mem>>) {add = true}
      %dma_wait3A = arith.constant 0 : i32
      %dma_wait3A_83 = tpu.memref_slice %arg5[%run_scoped3A_56, %dma_wait3A] : memref<8x128xi32, #tpu.memory_space<vmem>> -> memref<1x128xi32, #tpu.memory_space<vmem>>
      %dma_wait3A_84 = tpu.memref_squeeze %dma_wait3A_83 : memref<1x128xi32, #tpu.memory_space<vmem>> -> memref<128xi32, #tpu.memory_space<vmem>>
      %dma_wait3A_85 = arith.constant 0 : i32
      %dma_wait3A_86 = tpu.memref_slice %arg9[%dma_wait3A_85] : memref<512xf32, #tpu.memory_space<vmem_shared>> -> memref<512xf32, #tpu.memory_space<vmem_shared>>
      tpu.wait_indirect_dma semaphore(%run_scoped3A_78 : memref<!tpu.dma_semaphore, #tpu.memory_space<semaphore_mem>>) src(%arg7 : memref<128xf32, #tpu.memory_space<vmem>>) dst(%dma_wait3A_86 : memref<512xf32, #tpu.memory_space<vmem_shared>>)
      tpu.yield
    }) : () -> ()
    %run_scoped3A_57 = arith.constant 3 : i32
    %run_scoped3A_58 = arith.constant 3 : i32
    "tpu.region"() ({
      %run_scoped3A_78 = tpu.sem_alloc : memref<!tpu.dma_semaphore, #tpu.memory_space<semaphore_mem>>
      %dma_start3A = arith.constant 0 : i32
      %dma_start3A_79 = tpu.memref_slice %arg6[%run_scoped3A_57, %dma_start3A] : memref<8x128xf32, #tpu.memory_space<vmem>> -> memref<1x128xf32, #tpu.memory_space<vmem>>
      %dma_start3A_80 = tpu.memref_squeeze %dma_start3A_79 : memref<1x128xf32, #tpu.memory_space<vmem>> -> memref<128xf32, #tpu.memory_space<vmem>>
      %dma_start3A_81 = arith.constant 0 : i32
      %dma_start3A_82 = tpu.memref_slice %arg5[%run_scoped3A_58, %dma_start3A_81] : memref<8x128xi32, #tpu.memory_space<vmem>> -> memref<1x128xi32, #tpu.memory_space<vmem>>
      %dma_start3A_83 = tpu.memref_squeeze %dma_start3A_82 : memref<1x128xi32, #tpu.memory_space<vmem>> -> memref<128xi32, #tpu.memory_space<vmem>>
      %dma_start3A_84 = arith.constant 0 : i32
      %dma_start3A_85 = tpu.memref_slice %arg8[%dma_start3A_84] : memref<512xf32, #tpu.memory_space<vmem_shared>> -> memref<512xf32, #tpu.memory_space<vmem_shared>>
      tpu.enqueue_indirect_dma source(%dma_start3A_80 : memref<128xf32, #tpu.memory_space<vmem>>) target(%dma_start3A_85 : memref<512xf32, #tpu.memory_space<vmem_shared>>) offsets(%dma_start3A_83 : memref<128xi32, #tpu.memory_space<vmem>>) semaphore(%run_scoped3A_78 : memref<!tpu.dma_semaphore, #tpu.memory_space<semaphore_mem>>) {add = true}
      %dma_wait3A = arith.constant 0 : i32
      %dma_wait3A_86 = tpu.memref_slice %arg6[%run_scoped3A_57, %dma_wait3A] : memref<8x128xf32, #tpu.memory_space<vmem>> -> memref<1x128xf32, #tpu.memory_space<vmem>>
      %dma_wait3A_87 = tpu.memref_squeeze %dma_wait3A_86 : memref<1x128xf32, #tpu.memory_space<vmem>> -> memref<128xf32, #tpu.memory_space<vmem>>
      %dma_wait3A_88 = arith.constant 0 : i32
      %dma_wait3A_89 = tpu.memref_slice %arg5[%run_scoped3A_58, %dma_wait3A_88] : memref<8x128xi32, #tpu.memory_space<vmem>> -> memref<1x128xi32, #tpu.memory_space<vmem>>
      %dma_wait3A_90 = tpu.memref_squeeze %dma_wait3A_89 : memref<1x128xi32, #tpu.memory_space<vmem>> -> memref<128xi32, #tpu.memory_space<vmem>>
      %dma_wait3A_91 = arith.constant 0 : i32
      %dma_wait3A_92 = tpu.memref_slice %arg8[%dma_wait3A_91] : memref<512xf32, #tpu.memory_space<vmem_shared>> -> memref<512xf32, #tpu.memory_space<vmem_shared>>
      tpu.wait_indirect_dma semaphore(%run_scoped3A_78 : memref<!tpu.dma_semaphore, #tpu.memory_space<semaphore_mem>>) src(%dma_wait3A_87 : memref<128xf32, #tpu.memory_space<vmem>>) dst(%dma_wait3A_92 : memref<512xf32, #tpu.memory_space<vmem_shared>>)
      tpu.yield
    }) : () -> ()
    %run_scoped3A_59 = arith.constant 3 : i32
    "tpu.region"() ({
      %run_scoped3A_78 = tpu.sem_alloc : memref<!tpu.dma_semaphore, #tpu.memory_space<semaphore_mem>>
      %dma_start3A = arith.constant 0 : i32
      %dma_start3A_79 = tpu.memref_slice %arg5[%run_scoped3A_59, %dma_start3A] : memref<8x128xi32, #tpu.memory_space<vmem>> -> memref<1x128xi32, #tpu.memory_space<vmem>>
      %dma_start3A_80 = tpu.memref_squeeze %dma_start3A_79 : memref<1x128xi32, #tpu.memory_space<vmem>> -> memref<128xi32, #tpu.memory_space<vmem>>
      %dma_start3A_81 = arith.constant 0 : i32
      %dma_start3A_82 = tpu.memref_slice %arg9[%dma_start3A_81] : memref<512xf32, #tpu.memory_space<vmem_shared>> -> memref<512xf32, #tpu.memory_space<vmem_shared>>
      tpu.enqueue_indirect_dma source(%arg7 : memref<128xf32, #tpu.memory_space<vmem>>) target(%dma_start3A_82 : memref<512xf32, #tpu.memory_space<vmem_shared>>) offsets(%dma_start3A_80 : memref<128xi32, #tpu.memory_space<vmem>>) semaphore(%run_scoped3A_78 : memref<!tpu.dma_semaphore, #tpu.memory_space<semaphore_mem>>) {add = true}
      %dma_wait3A = arith.constant 0 : i32
      %dma_wait3A_83 = tpu.memref_slice %arg5[%run_scoped3A_59, %dma_wait3A] : memref<8x128xi32, #tpu.memory_space<vmem>> -> memref<1x128xi32, #tpu.memory_space<vmem>>
      %dma_wait3A_84 = tpu.memref_squeeze %dma_wait3A_83 : memref<1x128xi32, #tpu.memory_space<vmem>> -> memref<128xi32, #tpu.memory_space<vmem>>
      %dma_wait3A_85 = arith.constant 0 : i32
      %dma_wait3A_86 = tpu.memref_slice %arg9[%dma_wait3A_85] : memref<512xf32, #tpu.memory_space<vmem_shared>> -> memref<512xf32, #tpu.memory_space<vmem_shared>>
      tpu.wait_indirect_dma semaphore(%run_scoped3A_78 : memref<!tpu.dma_semaphore, #tpu.memory_space<semaphore_mem>>) src(%arg7 : memref<128xf32, #tpu.memory_space<vmem>>) dst(%dma_wait3A_86 : memref<512xf32, #tpu.memory_space<vmem_shared>>)
      tpu.yield
    }) : () -> ()
    %run_scoped3A_60 = arith.constant 4 : i32
    %run_scoped3A_61 = arith.constant 4 : i32
    "tpu.region"() ({
      %run_scoped3A_78 = tpu.sem_alloc : memref<!tpu.dma_semaphore, #tpu.memory_space<semaphore_mem>>
      %dma_start3A = arith.constant 0 : i32
      %dma_start3A_79 = tpu.memref_slice %arg6[%run_scoped3A_60, %dma_start3A] : memref<8x128xf32, #tpu.memory_space<vmem>> -> memref<1x128xf32, #tpu.memory_space<vmem>>
      %dma_start3A_80 = tpu.memref_squeeze %dma_start3A_79 : memref<1x128xf32, #tpu.memory_space<vmem>> -> memref<128xf32, #tpu.memory_space<vmem>>
      %dma_start3A_81 = arith.constant 0 : i32
      %dma_start3A_82 = tpu.memref_slice %arg5[%run_scoped3A_61, %dma_start3A_81] : memref<8x128xi32, #tpu.memory_space<vmem>> -> memref<1x128xi32, #tpu.memory_space<vmem>>
      %dma_start3A_83 = tpu.memref_squeeze %dma_start3A_82 : memref<1x128xi32, #tpu.memory_space<vmem>> -> memref<128xi32, #tpu.memory_space<vmem>>
      %dma_start3A_84 = arith.constant 0 : i32
      %dma_start3A_85 = tpu.memref_slice %arg8[%dma_start3A_84] : memref<512xf32, #tpu.memory_space<vmem_shared>> -> memref<512xf32, #tpu.memory_space<vmem_shared>>
      tpu.enqueue_indirect_dma source(%dma_start3A_80 : memref<128xf32, #tpu.memory_space<vmem>>) target(%dma_start3A_85 : memref<512xf32, #tpu.memory_space<vmem_shared>>) offsets(%dma_start3A_83 : memref<128xi32, #tpu.memory_space<vmem>>) semaphore(%run_scoped3A_78 : memref<!tpu.dma_semaphore, #tpu.memory_space<semaphore_mem>>) {add = true}
      %dma_wait3A = arith.constant 0 : i32
      %dma_wait3A_86 = tpu.memref_slice %arg6[%run_scoped3A_60, %dma_wait3A] : memref<8x128xf32, #tpu.memory_space<vmem>> -> memref<1x128xf32, #tpu.memory_space<vmem>>
      %dma_wait3A_87 = tpu.memref_squeeze %dma_wait3A_86 : memref<1x128xf32, #tpu.memory_space<vmem>> -> memref<128xf32, #tpu.memory_space<vmem>>
      %dma_wait3A_88 = arith.constant 0 : i32
      %dma_wait3A_89 = tpu.memref_slice %arg5[%run_scoped3A_61, %dma_wait3A_88] : memref<8x128xi32, #tpu.memory_space<vmem>> -> memref<1x128xi32, #tpu.memory_space<vmem>>
      %dma_wait3A_90 = tpu.memref_squeeze %dma_wait3A_89 : memref<1x128xi32, #tpu.memory_space<vmem>> -> memref<128xi32, #tpu.memory_space<vmem>>
      %dma_wait3A_91 = arith.constant 0 : i32
      %dma_wait3A_92 = tpu.memref_slice %arg8[%dma_wait3A_91] : memref<512xf32, #tpu.memory_space<vmem_shared>> -> memref<512xf32, #tpu.memory_space<vmem_shared>>
      tpu.wait_indirect_dma semaphore(%run_scoped3A_78 : memref<!tpu.dma_semaphore, #tpu.memory_space<semaphore_mem>>) src(%dma_wait3A_87 : memref<128xf32, #tpu.memory_space<vmem>>) dst(%dma_wait3A_92 : memref<512xf32, #tpu.memory_space<vmem_shared>>)
      tpu.yield
    }) : () -> ()
    %run_scoped3A_62 = arith.constant 4 : i32
    "tpu.region"() ({
      %run_scoped3A_78 = tpu.sem_alloc : memref<!tpu.dma_semaphore, #tpu.memory_space<semaphore_mem>>
      %dma_start3A = arith.constant 0 : i32
      %dma_start3A_79 = tpu.memref_slice %arg5[%run_scoped3A_62, %dma_start3A] : memref<8x128xi32, #tpu.memory_space<vmem>> -> memref<1x128xi32, #tpu.memory_space<vmem>>
      %dma_start3A_80 = tpu.memref_squeeze %dma_start3A_79 : memref<1x128xi32, #tpu.memory_space<vmem>> -> memref<128xi32, #tpu.memory_space<vmem>>
      %dma_start3A_81 = arith.constant 0 : i32
      %dma_start3A_82 = tpu.memref_slice %arg9[%dma_start3A_81] : memref<512xf32, #tpu.memory_space<vmem_shared>> -> memref<512xf32, #tpu.memory_space<vmem_shared>>
      tpu.enqueue_indirect_dma source(%arg7 : memref<128xf32, #tpu.memory_space<vmem>>) target(%dma_start3A_82 : memref<512xf32, #tpu.memory_space<vmem_shared>>) offsets(%dma_start3A_80 : memref<128xi32, #tpu.memory_space<vmem>>) semaphore(%run_scoped3A_78 : memref<!tpu.dma_semaphore, #tpu.memory_space<semaphore_mem>>) {add = true}
      %dma_wait3A = arith.constant 0 : i32
      %dma_wait3A_83 = tpu.memref_slice %arg5[%run_scoped3A_62, %dma_wait3A] : memref<8x128xi32, #tpu.memory_space<vmem>> -> memref<1x128xi32, #tpu.memory_space<vmem>>
      %dma_wait3A_84 = tpu.memref_squeeze %dma_wait3A_83 : memref<1x128xi32, #tpu.memory_space<vmem>> -> memref<128xi32, #tpu.memory_space<vmem>>
      %dma_wait3A_85 = arith.constant 0 : i32
      %dma_wait3A_86 = tpu.memref_slice %arg9[%dma_wait3A_85] : memref<512xf32, #tpu.memory_space<vmem_shared>> -> memref<512xf32, #tpu.memory_space<vmem_shared>>
      tpu.wait_indirect_dma semaphore(%run_scoped3A_78 : memref<!tpu.dma_semaphore, #tpu.memory_space<semaphore_mem>>) src(%arg7 : memref<128xf32, #tpu.memory_space<vmem>>) dst(%dma_wait3A_86 : memref<512xf32, #tpu.memory_space<vmem_shared>>)
      tpu.yield
    }) : () -> ()
    %run_scoped3A_63 = arith.constant 5 : i32
    %run_scoped3A_64 = arith.constant 5 : i32
    "tpu.region"() ({
      %run_scoped3A_78 = tpu.sem_alloc : memref<!tpu.dma_semaphore, #tpu.memory_space<semaphore_mem>>
      %dma_start3A = arith.constant 0 : i32
      %dma_start3A_79 = tpu.memref_slice %arg6[%run_scoped3A_63, %dma_start3A] : memref<8x128xf32, #tpu.memory_space<vmem>> -> memref<1x128xf32, #tpu.memory_space<vmem>>
      %dma_start3A_80 = tpu.memref_squeeze %dma_start3A_79 : memref<1x128xf32, #tpu.memory_space<vmem>> -> memref<128xf32, #tpu.memory_space<vmem>>
      %dma_start3A_81 = arith.constant 0 : i32
      %dma_start3A_82 = tpu.memref_slice %arg5[%run_scoped3A_64, %dma_start3A_81] : memref<8x128xi32, #tpu.memory_space<vmem>> -> memref<1x128xi32, #tpu.memory_space<vmem>>
      %dma_start3A_83 = tpu.memref_squeeze %dma_start3A_82 : memref<1x128xi32, #tpu.memory_space<vmem>> -> memref<128xi32, #tpu.memory_space<vmem>>
      %dma_start3A_84 = arith.constant 0 : i32
      %dma_start3A_85 = tpu.memref_slice %arg8[%dma_start3A_84] : memref<512xf32, #tpu.memory_space<vmem_shared>> -> memref<512xf32, #tpu.memory_space<vmem_shared>>
      tpu.enqueue_indirect_dma source(%dma_start3A_80 : memref<128xf32, #tpu.memory_space<vmem>>) target(%dma_start3A_85 : memref<512xf32, #tpu.memory_space<vmem_shared>>) offsets(%dma_start3A_83 : memref<128xi32, #tpu.memory_space<vmem>>) semaphore(%run_scoped3A_78 : memref<!tpu.dma_semaphore, #tpu.memory_space<semaphore_mem>>) {add = true}
      %dma_wait3A = arith.constant 0 : i32
      %dma_wait3A_86 = tpu.memref_slice %arg6[%run_scoped3A_63, %dma_wait3A] : memref<8x128xf32, #tpu.memory_space<vmem>> -> memref<1x128xf32, #tpu.memory_space<vmem>>
      %dma_wait3A_87 = tpu.memref_squeeze %dma_wait3A_86 : memref<1x128xf32, #tpu.memory_space<vmem>> -> memref<128xf32, #tpu.memory_space<vmem>>
      %dma_wait3A_88 = arith.constant 0 : i32
      %dma_wait3A_89 = tpu.memref_slice %arg5[%run_scoped3A_64, %dma_wait3A_88] : memref<8x128xi32, #tpu.memory_space<vmem>> -> memref<1x128xi32, #tpu.memory_space<vmem>>
      %dma_wait3A_90 = tpu.memref_squeeze %dma_wait3A_89 : memref<1x128xi32, #tpu.memory_space<vmem>> -> memref<128xi32, #tpu.memory_space<vmem>>
      %dma_wait3A_91 = arith.constant 0 : i32
      %dma_wait3A_92 = tpu.memref_slice %arg8[%dma_wait3A_91] : memref<512xf32, #tpu.memory_space<vmem_shared>> -> memref<512xf32, #tpu.memory_space<vmem_shared>>
      tpu.wait_indirect_dma semaphore(%run_scoped3A_78 : memref<!tpu.dma_semaphore, #tpu.memory_space<semaphore_mem>>) src(%dma_wait3A_87 : memref<128xf32, #tpu.memory_space<vmem>>) dst(%dma_wait3A_92 : memref<512xf32, #tpu.memory_space<vmem_shared>>)
      tpu.yield
    }) : () -> ()
    %run_scoped3A_65 = arith.constant 5 : i32
    "tpu.region"() ({
      %run_scoped3A_78 = tpu.sem_alloc : memref<!tpu.dma_semaphore, #tpu.memory_space<semaphore_mem>>
      %dma_start3A = arith.constant 0 : i32
      %dma_start3A_79 = tpu.memref_slice %arg5[%run_scoped3A_65, %dma_start3A] : memref<8x128xi32, #tpu.memory_space<vmem>> -> memref<1x128xi32, #tpu.memory_space<vmem>>
      %dma_start3A_80 = tpu.memref_squeeze %dma_start3A_79 : memref<1x128xi32, #tpu.memory_space<vmem>> -> memref<128xi32, #tpu.memory_space<vmem>>
      %dma_start3A_81 = arith.constant 0 : i32
      %dma_start3A_82 = tpu.memref_slice %arg9[%dma_start3A_81] : memref<512xf32, #tpu.memory_space<vmem_shared>> -> memref<512xf32, #tpu.memory_space<vmem_shared>>
      tpu.enqueue_indirect_dma source(%arg7 : memref<128xf32, #tpu.memory_space<vmem>>) target(%dma_start3A_82 : memref<512xf32, #tpu.memory_space<vmem_shared>>) offsets(%dma_start3A_80 : memref<128xi32, #tpu.memory_space<vmem>>) semaphore(%run_scoped3A_78 : memref<!tpu.dma_semaphore, #tpu.memory_space<semaphore_mem>>) {add = true}
      %dma_wait3A = arith.constant 0 : i32
      %dma_wait3A_83 = tpu.memref_slice %arg5[%run_scoped3A_65, %dma_wait3A] : memref<8x128xi32, #tpu.memory_space<vmem>> -> memref<1x128xi32, #tpu.memory_space<vmem>>
      %dma_wait3A_84 = tpu.memref_squeeze %dma_wait3A_83 : memref<1x128xi32, #tpu.memory_space<vmem>> -> memref<128xi32, #tpu.memory_space<vmem>>
      %dma_wait3A_85 = arith.constant 0 : i32
      %dma_wait3A_86 = tpu.memref_slice %arg9[%dma_wait3A_85] : memref<512xf32, #tpu.memory_space<vmem_shared>> -> memref<512xf32, #tpu.memory_space<vmem_shared>>
      tpu.wait_indirect_dma semaphore(%run_scoped3A_78 : memref<!tpu.dma_semaphore, #tpu.memory_space<semaphore_mem>>) src(%arg7 : memref<128xf32, #tpu.memory_space<vmem>>) dst(%dma_wait3A_86 : memref<512xf32, #tpu.memory_space<vmem_shared>>)
      tpu.yield
    }) : () -> ()
    %run_scoped3A_66 = arith.constant 6 : i32
    %run_scoped3A_67 = arith.constant 6 : i32
    "tpu.region"() ({
      %run_scoped3A_78 = tpu.sem_alloc : memref<!tpu.dma_semaphore, #tpu.memory_space<semaphore_mem>>
      %dma_start3A = arith.constant 0 : i32
      %dma_start3A_79 = tpu.memref_slice %arg6[%run_scoped3A_66, %dma_start3A] : memref<8x128xf32, #tpu.memory_space<vmem>> -> memref<1x128xf32, #tpu.memory_space<vmem>>
      %dma_start3A_80 = tpu.memref_squeeze %dma_start3A_79 : memref<1x128xf32, #tpu.memory_space<vmem>> -> memref<128xf32, #tpu.memory_space<vmem>>
      %dma_start3A_81 = arith.constant 0 : i32
      %dma_start3A_82 = tpu.memref_slice %arg5[%run_scoped3A_67, %dma_start3A_81] : memref<8x128xi32, #tpu.memory_space<vmem>> -> memref<1x128xi32, #tpu.memory_space<vmem>>
      %dma_start3A_83 = tpu.memref_squeeze %dma_start3A_82 : memref<1x128xi32, #tpu.memory_space<vmem>> -> memref<128xi32, #tpu.memory_space<vmem>>
      %dma_start3A_84 = arith.constant 0 : i32
      %dma_start3A_85 = tpu.memref_slice %arg8[%dma_start3A_84] : memref<512xf32, #tpu.memory_space<vmem_shared>> -> memref<512xf32, #tpu.memory_space<vmem_shared>>
      tpu.enqueue_indirect_dma source(%dma_start3A_80 : memref<128xf32, #tpu.memory_space<vmem>>) target(%dma_start3A_85 : memref<512xf32, #tpu.memory_space<vmem_shared>>) offsets(%dma_start3A_83 : memref<128xi32, #tpu.memory_space<vmem>>) semaphore(%run_scoped3A_78 : memref<!tpu.dma_semaphore, #tpu.memory_space<semaphore_mem>>) {add = true}
      %dma_wait3A = arith.constant 0 : i32
      %dma_wait3A_86 = tpu.memref_slice %arg6[%run_scoped3A_66, %dma_wait3A] : memref<8x128xf32, #tpu.memory_space<vmem>> -> memref<1x128xf32, #tpu.memory_space<vmem>>
      %dma_wait3A_87 = tpu.memref_squeeze %dma_wait3A_86 : memref<1x128xf32, #tpu.memory_space<vmem>> -> memref<128xf32, #tpu.memory_space<vmem>>
      %dma_wait3A_88 = arith.constant 0 : i32
      %dma_wait3A_89 = tpu.memref_slice %arg5[%run_scoped3A_67, %dma_wait3A_88] : memref<8x128xi32, #tpu.memory_space<vmem>> -> memref<1x128xi32, #tpu.memory_space<vmem>>
      %dma_wait3A_90 = tpu.memref_squeeze %dma_wait3A_89 : memref<1x128xi32, #tpu.memory_space<vmem>> -> memref<128xi32, #tpu.memory_space<vmem>>
      %dma_wait3A_91 = arith.constant 0 : i32
      %dma_wait3A_92 = tpu.memref_slice %arg8[%dma_wait3A_91] : memref<512xf32, #tpu.memory_space<vmem_shared>> -> memref<512xf32, #tpu.memory_space<vmem_shared>>
      tpu.wait_indirect_dma semaphore(%run_scoped3A_78 : memref<!tpu.dma_semaphore, #tpu.memory_space<semaphore_mem>>) src(%dma_wait3A_87 : memref<128xf32, #tpu.memory_space<vmem>>) dst(%dma_wait3A_92 : memref<512xf32, #tpu.memory_space<vmem_shared>>)
      tpu.yield
    }) : () -> ()
    %run_scoped3A_68 = arith.constant 6 : i32
    "tpu.region"() ({
      %run_scoped3A_78 = tpu.sem_alloc : memref<!tpu.dma_semaphore, #tpu.memory_space<semaphore_mem>>
      %dma_start3A = arith.constant 0 : i32
      %dma_start3A_79 = tpu.memref_slice %arg5[%run_scoped3A_68, %dma_start3A] : memref<8x128xi32, #tpu.memory_space<vmem>> -> memref<1x128xi32, #tpu.memory_space<vmem>>
      %dma_start3A_80 = tpu.memref_squeeze %dma_start3A_79 : memref<1x128xi32, #tpu.memory_space<vmem>> -> memref<128xi32, #tpu.memory_space<vmem>>
      %dma_start3A_81 = arith.constant 0 : i32
      %dma_start3A_82 = tpu.memref_slice %arg9[%dma_start3A_81] : memref<512xf32, #tpu.memory_space<vmem_shared>> -> memref<512xf32, #tpu.memory_space<vmem_shared>>
      tpu.enqueue_indirect_dma source(%arg7 : memref<128xf32, #tpu.memory_space<vmem>>) target(%dma_start3A_82 : memref<512xf32, #tpu.memory_space<vmem_shared>>) offsets(%dma_start3A_80 : memref<128xi32, #tpu.memory_space<vmem>>) semaphore(%run_scoped3A_78 : memref<!tpu.dma_semaphore, #tpu.memory_space<semaphore_mem>>) {add = true}
      %dma_wait3A = arith.constant 0 : i32
      %dma_wait3A_83 = tpu.memref_slice %arg5[%run_scoped3A_68, %dma_wait3A] : memref<8x128xi32, #tpu.memory_space<vmem>> -> memref<1x128xi32, #tpu.memory_space<vmem>>
      %dma_wait3A_84 = tpu.memref_squeeze %dma_wait3A_83 : memref<1x128xi32, #tpu.memory_space<vmem>> -> memref<128xi32, #tpu.memory_space<vmem>>
      %dma_wait3A_85 = arith.constant 0 : i32
      %dma_wait3A_86 = tpu.memref_slice %arg9[%dma_wait3A_85] : memref<512xf32, #tpu.memory_space<vmem_shared>> -> memref<512xf32, #tpu.memory_space<vmem_shared>>
      tpu.wait_indirect_dma semaphore(%run_scoped3A_78 : memref<!tpu.dma_semaphore, #tpu.memory_space<semaphore_mem>>) src(%arg7 : memref<128xf32, #tpu.memory_space<vmem>>) dst(%dma_wait3A_86 : memref<512xf32, #tpu.memory_space<vmem_shared>>)
      tpu.yield
    }) : () -> ()
    %run_scoped3A_69 = arith.constant 7 : i32
    %run_scoped3A_70 = arith.constant 7 : i32
    "tpu.region"() ({
      %run_scoped3A_78 = tpu.sem_alloc : memref<!tpu.dma_semaphore, #tpu.memory_space<semaphore_mem>>
      %dma_start3A = arith.constant 0 : i32
      %dma_start3A_79 = tpu.memref_slice %arg6[%run_scoped3A_69, %dma_start3A] : memref<8x128xf32, #tpu.memory_space<vmem>> -> memref<1x128xf32, #tpu.memory_space<vmem>>
      %dma_start3A_80 = tpu.memref_squeeze %dma_start3A_79 : memref<1x128xf32, #tpu.memory_space<vmem>> -> memref<128xf32, #tpu.memory_space<vmem>>
      %dma_start3A_81 = arith.constant 0 : i32
      %dma_start3A_82 = tpu.memref_slice %arg5[%run_scoped3A_70, %dma_start3A_81] : memref<8x128xi32, #tpu.memory_space<vmem>> -> memref<1x128xi32, #tpu.memory_space<vmem>>
      %dma_start3A_83 = tpu.memref_squeeze %dma_start3A_82 : memref<1x128xi32, #tpu.memory_space<vmem>> -> memref<128xi32, #tpu.memory_space<vmem>>
      %dma_start3A_84 = arith.constant 0 : i32
      %dma_start3A_85 = tpu.memref_slice %arg8[%dma_start3A_84] : memref<512xf32, #tpu.memory_space<vmem_shared>> -> memref<512xf32, #tpu.memory_space<vmem_shared>>
      tpu.enqueue_indirect_dma source(%dma_start3A_80 : memref<128xf32, #tpu.memory_space<vmem>>) target(%dma_start3A_85 : memref<512xf32, #tpu.memory_space<vmem_shared>>) offsets(%dma_start3A_83 : memref<128xi32, #tpu.memory_space<vmem>>) semaphore(%run_scoped3A_78 : memref<!tpu.dma_semaphore, #tpu.memory_space<semaphore_mem>>) {add = true}
      %dma_wait3A = arith.constant 0 : i32
      %dma_wait3A_86 = tpu.memref_slice %arg6[%run_scoped3A_69, %dma_wait3A] : memref<8x128xf32, #tpu.memory_space<vmem>> -> memref<1x128xf32, #tpu.memory_space<vmem>>
      %dma_wait3A_87 = tpu.memref_squeeze %dma_wait3A_86 : memref<1x128xf32, #tpu.memory_space<vmem>> -> memref<128xf32, #tpu.memory_space<vmem>>
      %dma_wait3A_88 = arith.constant 0 : i32
      %dma_wait3A_89 = tpu.memref_slice %arg5[%run_scoped3A_70, %dma_wait3A_88] : memref<8x128xi32, #tpu.memory_space<vmem>> -> memref<1x128xi32, #tpu.memory_space<vmem>>
      %dma_wait3A_90 = tpu.memref_squeeze %dma_wait3A_89 : memref<1x128xi32, #tpu.memory_space<vmem>> -> memref<128xi32, #tpu.memory_space<vmem>>
      %dma_wait3A_91 = arith.constant 0 : i32
      %dma_wait3A_92 = tpu.memref_slice %arg8[%dma_wait3A_91] : memref<512xf32, #tpu.memory_space<vmem_shared>> -> memref<512xf32, #tpu.memory_space<vmem_shared>>
      tpu.wait_indirect_dma semaphore(%run_scoped3A_78 : memref<!tpu.dma_semaphore, #tpu.memory_space<semaphore_mem>>) src(%dma_wait3A_87 : memref<128xf32, #tpu.memory_space<vmem>>) dst(%dma_wait3A_92 : memref<512xf32, #tpu.memory_space<vmem_shared>>)
      tpu.yield
    }) : () -> ()
    %run_scoped3A_71 = arith.constant 7 : i32
    "tpu.region"() ({
      %run_scoped3A_78 = tpu.sem_alloc : memref<!tpu.dma_semaphore, #tpu.memory_space<semaphore_mem>>
      %dma_start3A = arith.constant 0 : i32
      %dma_start3A_79 = tpu.memref_slice %arg5[%run_scoped3A_71, %dma_start3A] : memref<8x128xi32, #tpu.memory_space<vmem>> -> memref<1x128xi32, #tpu.memory_space<vmem>>
      %dma_start3A_80 = tpu.memref_squeeze %dma_start3A_79 : memref<1x128xi32, #tpu.memory_space<vmem>> -> memref<128xi32, #tpu.memory_space<vmem>>
      %dma_start3A_81 = arith.constant 0 : i32
      %dma_start3A_82 = tpu.memref_slice %arg9[%dma_start3A_81] : memref<512xf32, #tpu.memory_space<vmem_shared>> -> memref<512xf32, #tpu.memory_space<vmem_shared>>
      tpu.enqueue_indirect_dma source(%arg7 : memref<128xf32, #tpu.memory_space<vmem>>) target(%dma_start3A_82 : memref<512xf32, #tpu.memory_space<vmem_shared>>) offsets(%dma_start3A_80 : memref<128xi32, #tpu.memory_space<vmem>>) semaphore(%run_scoped3A_78 : memref<!tpu.dma_semaphore, #tpu.memory_space<semaphore_mem>>) {add = true}
      %dma_wait3A = arith.constant 0 : i32
      %dma_wait3A_83 = tpu.memref_slice %arg5[%run_scoped3A_71, %dma_wait3A] : memref<8x128xi32, #tpu.memory_space<vmem>> -> memref<1x128xi32, #tpu.memory_space<vmem>>
      %dma_wait3A_84 = tpu.memref_squeeze %dma_wait3A_83 : memref<1x128xi32, #tpu.memory_space<vmem>> -> memref<128xi32, #tpu.memory_space<vmem>>
      %dma_wait3A_85 = arith.constant 0 : i32
      %dma_wait3A_86 = tpu.memref_slice %arg9[%dma_wait3A_85] : memref<512xf32, #tpu.memory_space<vmem_shared>> -> memref<512xf32, #tpu.memory_space<vmem_shared>>
      tpu.wait_indirect_dma semaphore(%run_scoped3A_78 : memref<!tpu.dma_semaphore, #tpu.memory_space<semaphore_mem>>) src(%arg7 : memref<128xf32, #tpu.memory_space<vmem>>) dst(%dma_wait3A_86 : memref<512xf32, #tpu.memory_space<vmem_shared>>)
      tpu.yield
    }) : () -> ()
    %barrier3A_72 = arith.constant 0 : index
    tpu.barrier barrier_id(%barrier3A_72)
    %eq3A_73 = arith.constant 0 : i32
    %eq3A_74 = arith.cmpi eq, %arg1, %eq3A_73 : i32
    %convert_element_type3A_75 = arith.extui %eq3A_74 : i1 to i32
    %cond3A_76 = arith.constant 0 : i32
    %cond3A_77 = arith.cmpi ne, %convert_element_type3A_75, %cond3A_76 : i32
    scf.if %cond3A_77 {
      "tpu.region"() ({
        %run_scoped3A_523 = tpu.sem_alloc : memref<!tpu.dma_semaphore, #tpu.memory_space<semaphore_mem>>
        tpu.enqueue_dma source(%arg8 : memref<512xf32, #tpu.memory_space<vmem_shared>>) target(%arg10 : memref<512xf32, #tpu.memory_space<vmem>>) target_semaphore(%run_scoped3A_523 : memref<!tpu.dma_semaphore, #tpu.memory_space<semaphore_mem>>)
        tpu.wait_dma2 semaphore(%run_scoped3A_523 : memref<!tpu.dma_semaphore, #tpu.memory_space<semaphore_mem>>) src(%arg8 : memref<512xf32, #tpu.memory_space<vmem_shared>>) dst(%arg10 : memref<512xf32, #tpu.memory_space<vmem>>)
        tpu.yield
      }) : () -> ()
      "tpu.region"() ({
        %run_scoped3A_523 = tpu.sem_alloc : memref<!tpu.dma_semaphore, #tpu.memory_space<semaphore_mem>>
        tpu.enqueue_dma source(%arg9 : memref<512xf32, #tpu.memory_space<vmem_shared>>) target(%arg11 : memref<512xf32, #tpu.memory_space<vmem>>) target_semaphore(%run_scoped3A_523 : memref<!tpu.dma_semaphore, #tpu.memory_space<semaphore_mem>>)
        tpu.wait_dma2 semaphore(%run_scoped3A_523 : memref<!tpu.dma_semaphore, #tpu.memory_space<semaphore_mem>>) src(%arg9 : memref<512xf32, #tpu.memory_space<vmem_shared>>) dst(%arg11 : memref<512xf32, #tpu.memory_space<vmem>>)
        tpu.yield
      }) : () -> ()
      %get3A = arith.constant 0 : index
      %get3A_78 = tpu.vector_load %arg10[%get3A] {strides = array<i32>} : memref<512xf32, #tpu.memory_space<vmem>>, vector<16xf32>,
      %get3A_79 = vector.shape_cast %get3A_78 : vector<16xf32> to vector<16xf32>
      %get3A_80 = arith.constant 0 : index
      %get3A_81 = tpu.vector_load %arg11[%get3A_80] {strides = array<i32>} : memref<512xf32, #tpu.memory_space<vmem>>, vector<16xf32>,
      %get3A_82 = vector.shape_cast %get3A_81 : vector<16xf32> to vector<16xf32>
      %max3A = arith.constant 1.000000e+00 : f32
      %max3A_83 = vector.broadcast %max3A : f32 to vector<16xf32>
      %max3A_84 = arith.maximumf %get3A_82, %max3A_83 : vector<16xf32>
      %div3A = arith.divf %get3A_79, %max3A_84 : vector<16xf32>
      %swap3A_85 = arith.constant 0 : index
      %swap3A_86 = tpu.vector_load %arg12[%swap3A_85] {strides = array<i32>} : memref<512xf32, #tpu.memory_space<vmem>>, vector<16xf32>,
      %swap3A_87 = vector.shape_cast %swap3A_86 : vector<16xf32> to vector<16xf32>
      %swap3A_88 = vector.shape_cast %div3A : vector<16xf32> to vector<16xf32>
      tpu.vector_store %arg12[%swap3A_85], %swap3A_88 {strides = array<i32>} : memref<512xf32, #tpu.memory_space<vmem>>, vector<16xf32>,
      %get3A_89 = arith.constant 16 : index
      %get3A_90 = tpu.vector_load %arg10[%get3A_89] {strides = array<i32>} : memref<512xf32, #tpu.memory_space<vmem>>, vector<16xf32>,
      %get3A_91 = vector.shape_cast %get3A_90 : vector<16xf32> to vector<16xf32>
      %get3A_92 = arith.constant 16 : index
      %get3A_93 = tpu.vector_load %arg11[%get3A_92] {strides = array<i32>} : memref<512xf32, #tpu.memory_space<vmem>>, vector<16xf32>,
      %get3A_94 = vector.shape_cast %get3A_93 : vector<16xf32> to vector<16xf32>
      %max3A_95 = arith.constant 1.000000e+00 : f32
      %max3A_96 = vector.broadcast %max3A_95 : f32 to vector<16xf32>
      %max3A_97 = arith.maximumf %get3A_94, %max3A_96 : vector<16xf32>
      %div3A_98 = arith.divf %get3A_91, %max3A_97 : vector<16xf32>
      %swap3A_99 = arith.constant 16 : index
      %swap3A_100 = tpu.vector_load %arg12[%swap3A_99] {strides = array<i32>} : memref<512xf32, #tpu.memory_space<vmem>>, vector<16xf32>,
      %swap3A_101 = vector.shape_cast %swap3A_100 : vector<16xf32> to vector<16xf32>
      %swap3A_102 = vector.shape_cast %div3A_98 : vector<16xf32> to vector<16xf32>
      tpu.vector_store %arg12[%swap3A_99], %swap3A_102 {strides = array<i32>} : memref<512xf32, #tpu.memory_space<vmem>>, vector<16xf32>,
      %get3A_103 = arith.constant 32 : index
      %get3A_104 = tpu.vector_load %arg10[%get3A_103] {strides = array<i32>} : memref<512xf32, #tpu.memory_space<vmem>>, vector<16xf32>,
      %get3A_105 = vector.shape_cast %get3A_104 : vector<16xf32> to vector<16xf32>
      %get3A_106 = arith.constant 32 : index
      %get3A_107 = tpu.vector_load %arg11[%get3A_106] {strides = array<i32>} : memref<512xf32, #tpu.memory_space<vmem>>, vector<16xf32>,
      %get3A_108 = vector.shape_cast %get3A_107 : vector<16xf32> to vector<16xf32>
      %max3A_109 = arith.constant 1.000000e+00 : f32
      %max3A_110 = vector.broadcast %max3A_109 : f32 to vector<16xf32>
      %max3A_111 = arith.maximumf %get3A_108, %max3A_110 : vector<16xf32>
      %div3A_112 = arith.divf %get3A_105, %max3A_111 : vector<16xf32>
      %swap3A_113 = arith.constant 32 : index
      %swap3A_114 = tpu.vector_load %arg12[%swap3A_113] {strides = array<i32>} : memref<512xf32, #tpu.memory_space<vmem>>, vector<16xf32>,
      %swap3A_115 = vector.shape_cast %swap3A_114 : vector<16xf32> to vector<16xf32>
      %swap3A_116 = vector.shape_cast %div3A_112 : vector<16xf32> to vector<16xf32>
      tpu.vector_store %arg12[%swap3A_113], %swap3A_116 {strides = array<i32>} : memref<512xf32, #tpu.memory_space<vmem>>, vector<16xf32>,
      %get3A_117 = arith.constant 48 : index
      %get3A_118 = tpu.vector_load %arg10[%get3A_117] {strides = array<i32>} : memref<512xf32, #tpu.memory_space<vmem>>, vector<16xf32>,
      %get3A_119 = vector.shape_cast %get3A_118 : vector<16xf32> to vector<16xf32>
      %get3A_120 = arith.constant 48 : index
      %get3A_121 = tpu.vector_load %arg11[%get3A_120] {strides = array<i32>} : memref<512xf32, #tpu.memory_space<vmem>>, vector<16xf32>,
      %get3A_122 = vector.shape_cast %get3A_121 : vector<16xf32> to vector<16xf32>
      %max3A_123 = arith.constant 1.000000e+00 : f32
      %max3A_124 = vector.broadcast %max3A_123 : f32 to vector<16xf32>
      %max3A_125 = arith.maximumf %get3A_122, %max3A_124 : vector<16xf32>
      %div3A_126 = arith.divf %get3A_119, %max3A_125 : vector<16xf32>
      %swap3A_127 = arith.constant 48 : index
      %swap3A_128 = tpu.vector_load %arg12[%swap3A_127] {strides = array<i32>} : memref<512xf32, #tpu.memory_space<vmem>>, vector<16xf32>,
      %swap3A_129 = vector.shape_cast %swap3A_128 : vector<16xf32> to vector<16xf32>
      %swap3A_130 = vector.shape_cast %div3A_126 : vector<16xf32> to vector<16xf32>
      tpu.vector_store %arg12[%swap3A_127], %swap3A_130 {strides = array<i32>} : memref<512xf32, #tpu.memory_space<vmem>>, vector<16xf32>,
      %get3A_131 = arith.constant 64 : index
      %get3A_132 = tpu.vector_load %arg10[%get3A_131] {strides = array<i32>} : memref<512xf32, #tpu.memory_space<vmem>>, vector<16xf32>,
      %get3A_133 = vector.shape_cast %get3A_132 : vector<16xf32> to vector<16xf32>
      %get3A_134 = arith.constant 64 : index
      %get3A_135 = tpu.vector_load %arg11[%get3A_134] {strides = array<i32>} : memref<512xf32, #tpu.memory_space<vmem>>, vector<16xf32>,
      %get3A_136 = vector.shape_cast %get3A_135 : vector<16xf32> to vector<16xf32>
      %max3A_137 = arith.constant 1.000000e+00 : f32
      %max3A_138 = vector.broadcast %max3A_137 : f32 to vector<16xf32>
      %max3A_139 = arith.maximumf %get3A_136, %max3A_138 : vector<16xf32>
      %div3A_140 = arith.divf %get3A_133, %max3A_139 : vector<16xf32>
      %swap3A_141 = arith.constant 64 : index
      %swap3A_142 = tpu.vector_load %arg12[%swap3A_141] {strides = array<i32>} : memref<512xf32, #tpu.memory_space<vmem>>, vector<16xf32>,
      %swap3A_143 = vector.shape_cast %swap3A_142 : vector<16xf32> to vector<16xf32>
      %swap3A_144 = vector.shape_cast %div3A_140 : vector<16xf32> to vector<16xf32>
      tpu.vector_store %arg12[%swap3A_141], %swap3A_144 {strides = array<i32>} : memref<512xf32, #tpu.memory_space<vmem>>, vector<16xf32>,
      %get3A_145 = arith.constant 80 : index
      %get3A_146 = tpu.vector_load %arg10[%get3A_145] {strides = array<i32>} : memref<512xf32, #tpu.memory_space<vmem>>, vector<16xf32>,
      %get3A_147 = vector.shape_cast %get3A_146 : vector<16xf32> to vector<16xf32>
      %get3A_148 = arith.constant 80 : index
      %get3A_149 = tpu.vector_load %arg11[%get3A_148] {strides = array<i32>} : memref<512xf32, #tpu.memory_space<vmem>>, vector<16xf32>,
      %get3A_150 = vector.shape_cast %get3A_149 : vector<16xf32> to vector<16xf32>
      %max3A_151 = arith.constant 1.000000e+00 : f32
      %max3A_152 = vector.broadcast %max3A_151 : f32 to vector<16xf32>
      %max3A_153 = arith.maximumf %get3A_150, %max3A_152 : vector<16xf32>
      %div3A_154 = arith.divf %get3A_147, %max3A_153 : vector<16xf32>
      %swap3A_155 = arith.constant 80 : index
      %swap3A_156 = tpu.vector_load %arg12[%swap3A_155] {strides = array<i32>} : memref<512xf32, #tpu.memory_space<vmem>>, vector<16xf32>,
      %swap3A_157 = vector.shape_cast %swap3A_156 : vector<16xf32> to vector<16xf32>
      %swap3A_158 = vector.shape_cast %div3A_154 : vector<16xf32> to vector<16xf32>
      tpu.vector_store %arg12[%swap3A_155], %swap3A_158 {strides = array<i32>} : memref<512xf32, #tpu.memory_space<vmem>>, vector<16xf32>,
      %get3A_159 = arith.constant 96 : index
      %get3A_160 = tpu.vector_load %arg10[%get3A_159] {strides = array<i32>} : memref<512xf32, #tpu.memory_space<vmem>>, vector<16xf32>,
      %get3A_161 = vector.shape_cast %get3A_160 : vector<16xf32> to vector<16xf32>
      %get3A_162 = arith.constant 96 : index
      %get3A_163 = tpu.vector_load %arg11[%get3A_162] {strides = array<i32>} : memref<512xf32, #tpu.memory_space<vmem>>, vector<16xf32>,
      %get3A_164 = vector.shape_cast %get3A_163 : vector<16xf32> to vector<16xf32>
      %max3A_165 = arith.constant 1.000000e+00 : f32
      %max3A_166 = vector.broadcast %max3A_165 : f32 to vector<16xf32>
      %max3A_167 = arith.maximumf %get3A_164, %max3A_166 : vector<16xf32>
      %div3A_168 = arith.divf %get3A_161, %max3A_167 : vector<16xf32>
      %swap3A_169 = arith.constant 96 : index
      %swap3A_170 = tpu.vector_load %arg12[%swap3A_169] {strides = array<i32>} : memref<512xf32, #tpu.memory_space<vmem>>, vector<16xf32>,
      %swap3A_171 = vector.shape_cast %swap3A_170 : vector<16xf32> to vector<16xf32>
      %swap3A_172 = vector.shape_cast %div3A_168 : vector<16xf32> to vector<16xf32>
      tpu.vector_store %arg12[%swap3A_169], %swap3A_172 {strides = array<i32>} : memref<512xf32, #tpu.memory_space<vmem>>, vector<16xf32>,
      %get3A_173 = arith.constant 112 : index
      %get3A_174 = tpu.vector_load %arg10[%get3A_173] {strides = array<i32>} : memref<512xf32, #tpu.memory_space<vmem>>, vector<16xf32>,
      %get3A_175 = vector.shape_cast %get3A_174 : vector<16xf32> to vector<16xf32>
      %get3A_176 = arith.constant 112 : index
      %get3A_177 = tpu.vector_load %arg11[%get3A_176] {strides = array<i32>} : memref<512xf32, #tpu.memory_space<vmem>>, vector<16xf32>,
      %get3A_178 = vector.shape_cast %get3A_177 : vector<16xf32> to vector<16xf32>
      %max3A_179 = arith.constant 1.000000e+00 : f32
      %max3A_180 = vector.broadcast %max3A_179 : f32 to vector<16xf32>
      %max3A_181 = arith.maximumf %get3A_178, %max3A_180 : vector<16xf32>
      %div3A_182 = arith.divf %get3A_175, %max3A_181 : vector<16xf32>
      %swap3A_183 = arith.constant 112 : index
      %swap3A_184 = tpu.vector_load %arg12[%swap3A_183] {strides = array<i32>} : memref<512xf32, #tpu.memory_space<vmem>>, vector<16xf32>,
      %swap3A_185 = vector.shape_cast %swap3A_184 : vector<16xf32> to vector<16xf32>
      %swap3A_186 = vector.shape_cast %div3A_182 : vector<16xf32> to vector<16xf32>
      tpu.vector_store %arg12[%swap3A_183], %swap3A_186 {strides = array<i32>} : memref<512xf32, #tpu.memory_space<vmem>>, vector<16xf32>,
      %get3A_187 = arith.constant 128 : index
      %get3A_188 = tpu.vector_load %arg10[%get3A_187] {strides = array<i32>} : memref<512xf32, #tpu.memory_space<vmem>>, vector<16xf32>,
      %get3A_189 = vector.shape_cast %get3A_188 : vector<16xf32> to vector<16xf32>
      %get3A_190 = arith.constant 128 : index
      %get3A_191 = tpu.vector_load %arg11[%get3A_190] {strides = array<i32>} : memref<512xf32, #tpu.memory_space<vmem>>, vector<16xf32>,
      %get3A_192 = vector.shape_cast %get3A_191 : vector<16xf32> to vector<16xf32>
      %max3A_193 = arith.constant 1.000000e+00 : f32
      %max3A_194 = vector.broadcast %max3A_193 : f32 to vector<16xf32>
      %max3A_195 = arith.maximumf %get3A_192, %max3A_194 : vector<16xf32>
      %div3A_196 = arith.divf %get3A_189, %max3A_195 : vector<16xf32>
      %swap3A_197 = arith.constant 128 : index
      %swap3A_198 = tpu.vector_load %arg12[%swap3A_197] {strides = array<i32>} : memref<512xf32, #tpu.memory_space<vmem>>, vector<16xf32>,
      %swap3A_199 = vector.shape_cast %swap3A_198 : vector<16xf32> to vector<16xf32>
      %swap3A_200 = vector.shape_cast %div3A_196 : vector<16xf32> to vector<16xf32>
      tpu.vector_store %arg12[%swap3A_197], %swap3A_200 {strides = array<i32>} : memref<512xf32, #tpu.memory_space<vmem>>, vector<16xf32>,
      %get3A_201 = arith.constant 144 : index
      %get3A_202 = tpu.vector_load %arg10[%get3A_201] {strides = array<i32>} : memref<512xf32, #tpu.memory_space<vmem>>, vector<16xf32>,
      %get3A_203 = vector.shape_cast %get3A_202 : vector<16xf32> to vector<16xf32>
      %get3A_204 = arith.constant 144 : index
      %get3A_205 = tpu.vector_load %arg11[%get3A_204] {strides = array<i32>} : memref<512xf32, #tpu.memory_space<vmem>>, vector<16xf32>,
      %get3A_206 = vector.shape_cast %get3A_205 : vector<16xf32> to vector<16xf32>
      %max3A_207 = arith.constant 1.000000e+00 : f32
      %max3A_208 = vector.broadcast %max3A_207 : f32 to vector<16xf32>
      %max3A_209 = arith.maximumf %get3A_206, %max3A_208 : vector<16xf32>
      %div3A_210 = arith.divf %get3A_203, %max3A_209 : vector<16xf32>
      %swap3A_211 = arith.constant 144 : index
      %swap3A_212 = tpu.vector_load %arg12[%swap3A_211] {strides = array<i32>} : memref<512xf32, #tpu.memory_space<vmem>>, vector<16xf32>,
      %swap3A_213 = vector.shape_cast %swap3A_212 : vector<16xf32> to vector<16xf32>
      %swap3A_214 = vector.shape_cast %div3A_210 : vector<16xf32> to vector<16xf32>
      tpu.vector_store %arg12[%swap3A_211], %swap3A_214 {strides = array<i32>} : memref<512xf32, #tpu.memory_space<vmem>>, vector<16xf32>,
      %get3A_215 = arith.constant 160 : index
      %get3A_216 = tpu.vector_load %arg10[%get3A_215] {strides = array<i32>} : memref<512xf32, #tpu.memory_space<vmem>>, vector<16xf32>,
      %get3A_217 = vector.shape_cast %get3A_216 : vector<16xf32> to vector<16xf32>
      %get3A_218 = arith.constant 160 : index
      %get3A_219 = tpu.vector_load %arg11[%get3A_218] {strides = array<i32>} : memref<512xf32, #tpu.memory_space<vmem>>, vector<16xf32>,
      %get3A_220 = vector.shape_cast %get3A_219 : vector<16xf32> to vector<16xf32>
      %max3A_221 = arith.constant 1.000000e+00 : f32
      %max3A_222 = vector.broadcast %max3A_221 : f32 to vector<16xf32>
      %max3A_223 = arith.maximumf %get3A_220, %max3A_222 : vector<16xf32>
      %div3A_224 = arith.divf %get3A_217, %max3A_223 : vector<16xf32>
      %swap3A_225 = arith.constant 160 : index
      %swap3A_226 = tpu.vector_load %arg12[%swap3A_225] {strides = array<i32>} : memref<512xf32, #tpu.memory_space<vmem>>, vector<16xf32>,
      %swap3A_227 = vector.shape_cast %swap3A_226 : vector<16xf32> to vector<16xf32>
      %swap3A_228 = vector.shape_cast %div3A_224 : vector<16xf32> to vector<16xf32>
      tpu.vector_store %arg12[%swap3A_225], %swap3A_228 {strides = array<i32>} : memref<512xf32, #tpu.memory_space<vmem>>, vector<16xf32>,
      %get3A_229 = arith.constant 176 : index
      %get3A_230 = tpu.vector_load %arg10[%get3A_229] {strides = array<i32>} : memref<512xf32, #tpu.memory_space<vmem>>, vector<16xf32>,
      %get3A_231 = vector.shape_cast %get3A_230 : vector<16xf32> to vector<16xf32>
      %get3A_232 = arith.constant 176 : index
      %get3A_233 = tpu.vector_load %arg11[%get3A_232] {strides = array<i32>} : memref<512xf32, #tpu.memory_space<vmem>>, vector<16xf32>,
      %get3A_234 = vector.shape_cast %get3A_233 : vector<16xf32> to vector<16xf32>
      %max3A_235 = arith.constant 1.000000e+00 : f32
      %max3A_236 = vector.broadcast %max3A_235 : f32 to vector<16xf32>
      %max3A_237 = arith.maximumf %get3A_234, %max3A_236 : vector<16xf32>
      %div3A_238 = arith.divf %get3A_231, %max3A_237 : vector<16xf32>
      %swap3A_239 = arith.constant 176 : index
      %swap3A_240 = tpu.vector_load %arg12[%swap3A_239] {strides = array<i32>} : memref<512xf32, #tpu.memory_space<vmem>>, vector<16xf32>,
      %swap3A_241 = vector.shape_cast %swap3A_240 : vector<16xf32> to vector<16xf32>
      %swap3A_242 = vector.shape_cast %div3A_238 : vector<16xf32> to vector<16xf32>
      tpu.vector_store %arg12[%swap3A_239], %swap3A_242 {strides = array<i32>} : memref<512xf32, #tpu.memory_space<vmem>>, vector<16xf32>,
      %get3A_243 = arith.constant 192 : index
      %get3A_244 = tpu.vector_load %arg10[%get3A_243] {strides = array<i32>} : memref<512xf32, #tpu.memory_space<vmem>>, vector<16xf32>,
      %get3A_245 = vector.shape_cast %get3A_244 : vector<16xf32> to vector<16xf32>
      %get3A_246 = arith.constant 192 : index
      %get3A_247 = tpu.vector_load %arg11[%get3A_246] {strides = array<i32>} : memref<512xf32, #tpu.memory_space<vmem>>, vector<16xf32>,
      %get3A_248 = vector.shape_cast %get3A_247 : vector<16xf32> to vector<16xf32>
      %max3A_249 = arith.constant 1.000000e+00 : f32
      %max3A_250 = vector.broadcast %max3A_249 : f32 to vector<16xf32>
      %max3A_251 = arith.maximumf %get3A_248, %max3A_250 : vector<16xf32>
      %div3A_252 = arith.divf %get3A_245, %max3A_251 : vector<16xf32>
      %swap3A_253 = arith.constant 192 : index
      %swap3A_254 = tpu.vector_load %arg12[%swap3A_253] {strides = array<i32>} : memref<512xf32, #tpu.memory_space<vmem>>, vector<16xf32>,
      %swap3A_255 = vector.shape_cast %swap3A_254 : vector<16xf32> to vector<16xf32>
      %swap3A_256 = vector.shape_cast %div3A_252 : vector<16xf32> to vector<16xf32>
      tpu.vector_store %arg12[%swap3A_253], %swap3A_256 {strides = array<i32>} : memref<512xf32, #tpu.memory_space<vmem>>, vector<16xf32>,
      %get3A_257 = arith.constant 208 : index
      %get3A_258 = tpu.vector_load %arg10[%get3A_257] {strides = array<i32>} : memref<512xf32, #tpu.memory_space<vmem>>, vector<16xf32>,
      %get3A_259 = vector.shape_cast %get3A_258 : vector<16xf32> to vector<16xf32>
      %get3A_260 = arith.constant 208 : index
      %get3A_261 = tpu.vector_load %arg11[%get3A_260] {strides = array<i32>} : memref<512xf32, #tpu.memory_space<vmem>>, vector<16xf32>,
      %get3A_262 = vector.shape_cast %get3A_261 : vector<16xf32> to vector<16xf32>
      %max3A_263 = arith.constant 1.000000e+00 : f32
      %max3A_264 = vector.broadcast %max3A_263 : f32 to vector<16xf32>
      %max3A_265 = arith.maximumf %get3A_262, %max3A_264 : vector<16xf32>
      %div3A_266 = arith.divf %get3A_259, %max3A_265 : vector<16xf32>
      %swap3A_267 = arith.constant 208 : index
      %swap3A_268 = tpu.vector_load %arg12[%swap3A_267] {strides = array<i32>} : memref<512xf32, #tpu.memory_space<vmem>>, vector<16xf32>,
      %swap3A_269 = vector.shape_cast %swap3A_268 : vector<16xf32> to vector<16xf32>
      %swap3A_270 = vector.shape_cast %div3A_266 : vector<16xf32> to vector<16xf32>
      tpu.vector_store %arg12[%swap3A_267], %swap3A_270 {strides = array<i32>} : memref<512xf32, #tpu.memory_space<vmem>>, vector<16xf32>,
      %get3A_271 = arith.constant 224 : index
      %get3A_272 = tpu.vector_load %arg10[%get3A_271] {strides = array<i32>} : memref<512xf32, #tpu.memory_space<vmem>>, vector<16xf32>,
      %get3A_273 = vector.shape_cast %get3A_272 : vector<16xf32> to vector<16xf32>
      %get3A_274 = arith.constant 224 : index
      %get3A_275 = tpu.vector_load %arg11[%get3A_274] {strides = array<i32>} : memref<512xf32, #tpu.memory_space<vmem>>, vector<16xf32>,
      %get3A_276 = vector.shape_cast %get3A_275 : vector<16xf32> to vector<16xf32>
      %max3A_277 = arith.constant 1.000000e+00 : f32
      %max3A_278 = vector.broadcast %max3A_277 : f32 to vector<16xf32>
      %max3A_279 = arith.maximumf %get3A_276, %max3A_278 : vector<16xf32>
      %div3A_280 = arith.divf %get3A_273, %max3A_279 : vector<16xf32>
      %swap3A_281 = arith.constant 224 : index
      %swap3A_282 = tpu.vector_load %arg12[%swap3A_281] {strides = array<i32>} : memref<512xf32, #tpu.memory_space<vmem>>, vector<16xf32>,
      %swap3A_283 = vector.shape_cast %swap3A_282 : vector<16xf32> to vector<16xf32>
      %swap3A_284 = vector.shape_cast %div3A_280 : vector<16xf32> to vector<16xf32>
      tpu.vector_store %arg12[%swap3A_281], %swap3A_284 {strides = array<i32>} : memref<512xf32, #tpu.memory_space<vmem>>, vector<16xf32>,
      %get3A_285 = arith.constant 240 : index
      %get3A_286 = tpu.vector_load %arg10[%get3A_285] {strides = array<i32>} : memref<512xf32, #tpu.memory_space<vmem>>, vector<16xf32>,
      %get3A_287 = vector.shape_cast %get3A_286 : vector<16xf32> to vector<16xf32>
      %get3A_288 = arith.constant 240 : index
      %get3A_289 = tpu.vector_load %arg11[%get3A_288] {strides = array<i32>} : memref<512xf32, #tpu.memory_space<vmem>>, vector<16xf32>,
      %get3A_290 = vector.shape_cast %get3A_289 : vector<16xf32> to vector<16xf32>
      %max3A_291 = arith.constant 1.000000e+00 : f32
      %max3A_292 = vector.broadcast %max3A_291 : f32 to vector<16xf32>
      %max3A_293 = arith.maximumf %get3A_290, %max3A_292 : vector<16xf32>
      %div3A_294 = arith.divf %get3A_287, %max3A_293 : vector<16xf32>
      %swap3A_295 = arith.constant 240 : index
      %swap3A_296 = tpu.vector_load %arg12[%swap3A_295] {strides = array<i32>} : memref<512xf32, #tpu.memory_space<vmem>>, vector<16xf32>,
      %swap3A_297 = vector.shape_cast %swap3A_296 : vector<16xf32> to vector<16xf32>
      %swap3A_298 = vector.shape_cast %div3A_294 : vector<16xf32> to vector<16xf32>
      tpu.vector_store %arg12[%swap3A_295], %swap3A_298 {strides = array<i32>} : memref<512xf32, #tpu.memory_space<vmem>>, vector<16xf32>,
      %get3A_299 = arith.constant 256 : index
      %get3A_300 = tpu.vector_load %arg10[%get3A_299] {strides = array<i32>} : memref<512xf32, #tpu.memory_space<vmem>>, vector<16xf32>,
      %get3A_301 = vector.shape_cast %get3A_300 : vector<16xf32> to vector<16xf32>
      %get3A_302 = arith.constant 256 : index
      %get3A_303 = tpu.vector_load %arg11[%get3A_302] {strides = array<i32>} : memref<512xf32, #tpu.memory_space<vmem>>, vector<16xf32>,
      %get3A_304 = vector.shape_cast %get3A_303 : vector<16xf32> to vector<16xf32>
      %max3A_305 = arith.constant 1.000000e+00 : f32
      %max3A_306 = vector.broadcast %max3A_305 : f32 to vector<16xf32>
      %max3A_307 = arith.maximumf %get3A_304, %max3A_306 : vector<16xf32>
      %div3A_308 = arith.divf %get3A_301, %max3A_307 : vector<16xf32>
      %swap3A_309 = arith.constant 256 : index
      %swap3A_310 = tpu.vector_load %arg12[%swap3A_309] {strides = array<i32>} : memref<512xf32, #tpu.memory_space<vmem>>, vector<16xf32>,
      %swap3A_311 = vector.shape_cast %swap3A_310 : vector<16xf32> to vector<16xf32>
      %swap3A_312 = vector.shape_cast %div3A_308 : vector<16xf32> to vector<16xf32>
      tpu.vector_store %arg12[%swap3A_309], %swap3A_312 {strides = array<i32>} : memref<512xf32, #tpu.memory_space<vmem>>, vector<16xf32>,
      %get3A_313 = arith.constant 272 : index
      %get3A_314 = tpu.vector_load %arg10[%get3A_313] {strides = array<i32>} : memref<512xf32, #tpu.memory_space<vmem>>, vector<16xf32>,
      %get3A_315 = vector.shape_cast %get3A_314 : vector<16xf32> to vector<16xf32>
      %get3A_316 = arith.constant 272 : index
      %get3A_317 = tpu.vector_load %arg11[%get3A_316] {strides = array<i32>} : memref<512xf32, #tpu.memory_space<vmem>>, vector<16xf32>,
      %get3A_318 = vector.shape_cast %get3A_317 : vector<16xf32> to vector<16xf32>
      %max3A_319 = arith.constant 1.000000e+00 : f32
      %max3A_320 = vector.broadcast %max3A_319 : f32 to vector<16xf32>
      %max3A_321 = arith.maximumf %get3A_318, %max3A_320 : vector<16xf32>
      %div3A_322 = arith.divf %get3A_315, %max3A_321 : vector<16xf32>
      %swap3A_323 = arith.constant 272 : index
      %swap3A_324 = tpu.vector_load %arg12[%swap3A_323] {strides = array<i32>} : memref<512xf32, #tpu.memory_space<vmem>>, vector<16xf32>,
      %swap3A_325 = vector.shape_cast %swap3A_324 : vector<16xf32> to vector<16xf32>
      %swap3A_326 = vector.shape_cast %div3A_322 : vector<16xf32> to vector<16xf32>
      tpu.vector_store %arg12[%swap3A_323], %swap3A_326 {strides = array<i32>} : memref<512xf32, #tpu.memory_space<vmem>>, vector<16xf32>,
      %get3A_327 = arith.constant 288 : index
      %get3A_328 = tpu.vector_load %arg10[%get3A_327] {strides = array<i32>} : memref<512xf32, #tpu.memory_space<vmem>>, vector<16xf32>,
      %get3A_329 = vector.shape_cast %get3A_328 : vector<16xf32> to vector<16xf32>
      %get3A_330 = arith.constant 288 : index
      %get3A_331 = tpu.vector_load %arg11[%get3A_330] {strides = array<i32>} : memref<512xf32, #tpu.memory_space<vmem>>, vector<16xf32>,
      %get3A_332 = vector.shape_cast %get3A_331 : vector<16xf32> to vector<16xf32>
      %max3A_333 = arith.constant 1.000000e+00 : f32
      %max3A_334 = vector.broadcast %max3A_333 : f32 to vector<16xf32>
      %max3A_335 = arith.maximumf %get3A_332, %max3A_334 : vector<16xf32>
      %div3A_336 = arith.divf %get3A_329, %max3A_335 : vector<16xf32>
      %swap3A_337 = arith.constant 288 : index
      %swap3A_338 = tpu.vector_load %arg12[%swap3A_337] {strides = array<i32>} : memref<512xf32, #tpu.memory_space<vmem>>, vector<16xf32>,
      %swap3A_339 = vector.shape_cast %swap3A_338 : vector<16xf32> to vector<16xf32>
      %swap3A_340 = vector.shape_cast %div3A_336 : vector<16xf32> to vector<16xf32>
      tpu.vector_store %arg12[%swap3A_337], %swap3A_340 {strides = array<i32>} : memref<512xf32, #tpu.memory_space<vmem>>, vector<16xf32>,
      %get3A_341 = arith.constant 304 : index
      %get3A_342 = tpu.vector_load %arg10[%get3A_341] {strides = array<i32>} : memref<512xf32, #tpu.memory_space<vmem>>, vector<16xf32>,
      %get3A_343 = vector.shape_cast %get3A_342 : vector<16xf32> to vector<16xf32>
      %get3A_344 = arith.constant 304 : index
      %get3A_345 = tpu.vector_load %arg11[%get3A_344] {strides = array<i32>} : memref<512xf32, #tpu.memory_space<vmem>>, vector<16xf32>,
      %get3A_346 = vector.shape_cast %get3A_345 : vector<16xf32> to vector<16xf32>
      %max3A_347 = arith.constant 1.000000e+00 : f32
      %max3A_348 = vector.broadcast %max3A_347 : f32 to vector<16xf32>
      %max3A_349 = arith.maximumf %get3A_346, %max3A_348 : vector<16xf32>
      %div3A_350 = arith.divf %get3A_343, %max3A_349 : vector<16xf32>
      %swap3A_351 = arith.constant 304 : index
      %swap3A_352 = tpu.vector_load %arg12[%swap3A_351] {strides = array<i32>} : memref<512xf32, #tpu.memory_space<vmem>>, vector<16xf32>,
      %swap3A_353 = vector.shape_cast %swap3A_352 : vector<16xf32> to vector<16xf32>
      %swap3A_354 = vector.shape_cast %div3A_350 : vector<16xf32> to vector<16xf32>
      tpu.vector_store %arg12[%swap3A_351], %swap3A_354 {strides = array<i32>} : memref<512xf32, #tpu.memory_space<vmem>>, vector<16xf32>,
      %get3A_355 = arith.constant 320 : index
      %get3A_356 = tpu.vector_load %arg10[%get3A_355] {strides = array<i32>} : memref<512xf32, #tpu.memory_space<vmem>>, vector<16xf32>,
      %get3A_357 = vector.shape_cast %get3A_356 : vector<16xf32> to vector<16xf32>
      %get3A_358 = arith.constant 320 : index
      %get3A_359 = tpu.vector_load %arg11[%get3A_358] {strides = array<i32>} : memref<512xf32, #tpu.memory_space<vmem>>, vector<16xf32>,
      %get3A_360 = vector.shape_cast %get3A_359 : vector<16xf32> to vector<16xf32>
      %max3A_361 = arith.constant 1.000000e+00 : f32
      %max3A_362 = vector.broadcast %max3A_361 : f32 to vector<16xf32>
      %max3A_363 = arith.maximumf %get3A_360, %max3A_362 : vector<16xf32>
      %div3A_364 = arith.divf %get3A_357, %max3A_363 : vector<16xf32>
      %swap3A_365 = arith.constant 320 : index
      %swap3A_366 = tpu.vector_load %arg12[%swap3A_365] {strides = array<i32>} : memref<512xf32, #tpu.memory_space<vmem>>, vector<16xf32>,
      %swap3A_367 = vector.shape_cast %swap3A_366 : vector<16xf32> to vector<16xf32>
      %swap3A_368 = vector.shape_cast %div3A_364 : vector<16xf32> to vector<16xf32>
      tpu.vector_store %arg12[%swap3A_365], %swap3A_368 {strides = array<i32>} : memref<512xf32, #tpu.memory_space<vmem>>, vector<16xf32>,
      %get3A_369 = arith.constant 336 : index
      %get3A_370 = tpu.vector_load %arg10[%get3A_369] {strides = array<i32>} : memref<512xf32, #tpu.memory_space<vmem>>, vector<16xf32>,
      %get3A_371 = vector.shape_cast %get3A_370 : vector<16xf32> to vector<16xf32>
      %get3A_372 = arith.constant 336 : index
      %get3A_373 = tpu.vector_load %arg11[%get3A_372] {strides = array<i32>} : memref<512xf32, #tpu.memory_space<vmem>>, vector<16xf32>,
      %get3A_374 = vector.shape_cast %get3A_373 : vector<16xf32> to vector<16xf32>
      %max3A_375 = arith.constant 1.000000e+00 : f32
      %max3A_376 = vector.broadcast %max3A_375 : f32 to vector<16xf32>
      %max3A_377 = arith.maximumf %get3A_374, %max3A_376 : vector<16xf32>
      %div3A_378 = arith.divf %get3A_371, %max3A_377 : vector<16xf32>
      %swap3A_379 = arith.constant 336 : index
      %swap3A_380 = tpu.vector_load %arg12[%swap3A_379] {strides = array<i32>} : memref<512xf32, #tpu.memory_space<vmem>>, vector<16xf32>,
      %swap3A_381 = vector.shape_cast %swap3A_380 : vector<16xf32> to vector<16xf32>
      %swap3A_382 = vector.shape_cast %div3A_378 : vector<16xf32> to vector<16xf32>
      tpu.vector_store %arg12[%swap3A_379], %swap3A_382 {strides = array<i32>} : memref<512xf32, #tpu.memory_space<vmem>>, vector<16xf32>,
      %get3A_383 = arith.constant 352 : index
      %get3A_384 = tpu.vector_load %arg10[%get3A_383] {strides = array<i32>} : memref<512xf32, #tpu.memory_space<vmem>>, vector<16xf32>,
      %get3A_385 = vector.shape_cast %get3A_384 : vector<16xf32> to vector<16xf32>
      %get3A_386 = arith.constant 352 : index
      %get3A_387 = tpu.vector_load %arg11[%get3A_386] {strides = array<i32>} : memref<512xf32, #tpu.memory_space<vmem>>, vector<16xf32>,
      %get3A_388 = vector.shape_cast %get3A_387 : vector<16xf32> to vector<16xf32>
      %max3A_389 = arith.constant 1.000000e+00 : f32
      %max3A_390 = vector.broadcast %max3A_389 : f32 to vector<16xf32>
      %max3A_391 = arith.maximumf %get3A_388, %max3A_390 : vector<16xf32>
      %div3A_392 = arith.divf %get3A_385, %max3A_391 : vector<16xf32>
      %swap3A_393 = arith.constant 352 : index
      %swap3A_394 = tpu.vector_load %arg12[%swap3A_393] {strides = array<i32>} : memref<512xf32, #tpu.memory_space<vmem>>, vector<16xf32>,
      %swap3A_395 = vector.shape_cast %swap3A_394 : vector<16xf32> to vector<16xf32>
      %swap3A_396 = vector.shape_cast %div3A_392 : vector<16xf32> to vector<16xf32>
      tpu.vector_store %arg12[%swap3A_393], %swap3A_396 {strides = array<i32>} : memref<512xf32, #tpu.memory_space<vmem>>, vector<16xf32>,
      %get3A_397 = arith.constant 368 : index
      %get3A_398 = tpu.vector_load %arg10[%get3A_397] {strides = array<i32>} : memref<512xf32, #tpu.memory_space<vmem>>, vector<16xf32>,
      %get3A_399 = vector.shape_cast %get3A_398 : vector<16xf32> to vector<16xf32>
      %get3A_400 = arith.constant 368 : index
      %get3A_401 = tpu.vector_load %arg11[%get3A_400] {strides = array<i32>} : memref<512xf32, #tpu.memory_space<vmem>>, vector<16xf32>,
      %get3A_402 = vector.shape_cast %get3A_401 : vector<16xf32> to vector<16xf32>
      %max3A_403 = arith.constant 1.000000e+00 : f32
      %max3A_404 = vector.broadcast %max3A_403 : f32 to vector<16xf32>
      %max3A_405 = arith.maximumf %get3A_402, %max3A_404 : vector<16xf32>
      %div3A_406 = arith.divf %get3A_399, %max3A_405 : vector<16xf32>
      %swap3A_407 = arith.constant 368 : index
      %swap3A_408 = tpu.vector_load %arg12[%swap3A_407] {strides = array<i32>} : memref<512xf32, #tpu.memory_space<vmem>>, vector<16xf32>,
      %swap3A_409 = vector.shape_cast %swap3A_408 : vector<16xf32> to vector<16xf32>
      %swap3A_410 = vector.shape_cast %div3A_406 : vector<16xf32> to vector<16xf32>
      tpu.vector_store %arg12[%swap3A_407], %swap3A_410 {strides = array<i32>} : memref<512xf32, #tpu.memory_space<vmem>>, vector<16xf32>,
      %get3A_411 = arith.constant 384 : index
      %get3A_412 = tpu.vector_load %arg10[%get3A_411] {strides = array<i32>} : memref<512xf32, #tpu.memory_space<vmem>>, vector<16xf32>,
      %get3A_413 = vector.shape_cast %get3A_412 : vector<16xf32> to vector<16xf32>
      %get3A_414 = arith.constant 384 : index
      %get3A_415 = tpu.vector_load %arg11[%get3A_414] {strides = array<i32>} : memref<512xf32, #tpu.memory_space<vmem>>, vector<16xf32>,
      %get3A_416 = vector.shape_cast %get3A_415 : vector<16xf32> to vector<16xf32>
      %max3A_417 = arith.constant 1.000000e+00 : f32
      %max3A_418 = vector.broadcast %max3A_417 : f32 to vector<16xf32>
      %max3A_419 = arith.maximumf %get3A_416, %max3A_418 : vector<16xf32>
      %div3A_420 = arith.divf %get3A_413, %max3A_419 : vector<16xf32>
      %swap3A_421 = arith.constant 384 : index
      %swap3A_422 = tpu.vector_load %arg12[%swap3A_421] {strides = array<i32>} : memref<512xf32, #tpu.memory_space<vmem>>, vector<16xf32>,
      %swap3A_423 = vector.shape_cast %swap3A_422 : vector<16xf32> to vector<16xf32>
      %swap3A_424 = vector.shape_cast %div3A_420 : vector<16xf32> to vector<16xf32>
      tpu.vector_store %arg12[%swap3A_421], %swap3A_424 {strides = array<i32>} : memref<512xf32, #tpu.memory_space<vmem>>, vector<16xf32>,
      %get3A_425 = arith.constant 400 : index
      %get3A_426 = tpu.vector_load %arg10[%get3A_425] {strides = array<i32>} : memref<512xf32, #tpu.memory_space<vmem>>, vector<16xf32>,
      %get3A_427 = vector.shape_cast %get3A_426 : vector<16xf32> to vector<16xf32>
      %get3A_428 = arith.constant 400 : index
      %get3A_429 = tpu.vector_load %arg11[%get3A_428] {strides = array<i32>} : memref<512xf32, #tpu.memory_space<vmem>>, vector<16xf32>,
      %get3A_430 = vector.shape_cast %get3A_429 : vector<16xf32> to vector<16xf32>
      %max3A_431 = arith.constant 1.000000e+00 : f32
      %max3A_432 = vector.broadcast %max3A_431 : f32 to vector<16xf32>
      %max3A_433 = arith.maximumf %get3A_430, %max3A_432 : vector<16xf32>
      %div3A_434 = arith.divf %get3A_427, %max3A_433 : vector<16xf32>
      %swap3A_435 = arith.constant 400 : index
      %swap3A_436 = tpu.vector_load %arg12[%swap3A_435] {strides = array<i32>} : memref<512xf32, #tpu.memory_space<vmem>>, vector<16xf32>,
      %swap3A_437 = vector.shape_cast %swap3A_436 : vector<16xf32> to vector<16xf32>
      %swap3A_438 = vector.shape_cast %div3A_434 : vector<16xf32> to vector<16xf32>
      tpu.vector_store %arg12[%swap3A_435], %swap3A_438 {strides = array<i32>} : memref<512xf32, #tpu.memory_space<vmem>>, vector<16xf32>,
      %get3A_439 = arith.constant 416 : index
      %get3A_440 = tpu.vector_load %arg10[%get3A_439] {strides = array<i32>} : memref<512xf32, #tpu.memory_space<vmem>>, vector<16xf32>,
      %get3A_441 = vector.shape_cast %get3A_440 : vector<16xf32> to vector<16xf32>
      %get3A_442 = arith.constant 416 : index
      %get3A_443 = tpu.vector_load %arg11[%get3A_442] {strides = array<i32>} : memref<512xf32, #tpu.memory_space<vmem>>, vector<16xf32>,
      %get3A_444 = vector.shape_cast %get3A_443 : vector<16xf32> to vector<16xf32>
      %max3A_445 = arith.constant 1.000000e+00 : f32
      %max3A_446 = vector.broadcast %max3A_445 : f32 to vector<16xf32>
      %max3A_447 = arith.maximumf %get3A_444, %max3A_446 : vector<16xf32>
      %div3A_448 = arith.divf %get3A_441, %max3A_447 : vector<16xf32>
      %swap3A_449 = arith.constant 416 : index
      %swap3A_450 = tpu.vector_load %arg12[%swap3A_449] {strides = array<i32>} : memref<512xf32, #tpu.memory_space<vmem>>, vector<16xf32>,
      %swap3A_451 = vector.shape_cast %swap3A_450 : vector<16xf32> to vector<16xf32>
      %swap3A_452 = vector.shape_cast %div3A_448 : vector<16xf32> to vector<16xf32>
      tpu.vector_store %arg12[%swap3A_449], %swap3A_452 {strides = array<i32>} : memref<512xf32, #tpu.memory_space<vmem>>, vector<16xf32>,
      %get3A_453 = arith.constant 432 : index
      %get3A_454 = tpu.vector_load %arg10[%get3A_453] {strides = array<i32>} : memref<512xf32, #tpu.memory_space<vmem>>, vector<16xf32>,
      %get3A_455 = vector.shape_cast %get3A_454 : vector<16xf32> to vector<16xf32>
      %get3A_456 = arith.constant 432 : index
      %get3A_457 = tpu.vector_load %arg11[%get3A_456] {strides = array<i32>} : memref<512xf32, #tpu.memory_space<vmem>>, vector<16xf32>,
      %get3A_458 = vector.shape_cast %get3A_457 : vector<16xf32> to vector<16xf32>
      %max3A_459 = arith.constant 1.000000e+00 : f32
      %max3A_460 = vector.broadcast %max3A_459 : f32 to vector<16xf32>
      %max3A_461 = arith.maximumf %get3A_458, %max3A_460 : vector<16xf32>
      %div3A_462 = arith.divf %get3A_455, %max3A_461 : vector<16xf32>
      %swap3A_463 = arith.constant 432 : index
      %swap3A_464 = tpu.vector_load %arg12[%swap3A_463] {strides = array<i32>} : memref<512xf32, #tpu.memory_space<vmem>>, vector<16xf32>,
      %swap3A_465 = vector.shape_cast %swap3A_464 : vector<16xf32> to vector<16xf32>
      %swap3A_466 = vector.shape_cast %div3A_462 : vector<16xf32> to vector<16xf32>
      tpu.vector_store %arg12[%swap3A_463], %swap3A_466 {strides = array<i32>} : memref<512xf32, #tpu.memory_space<vmem>>, vector<16xf32>,
      %get3A_467 = arith.constant 448 : index
      %get3A_468 = tpu.vector_load %arg10[%get3A_467] {strides = array<i32>} : memref<512xf32, #tpu.memory_space<vmem>>, vector<16xf32>,
      %get3A_469 = vector.shape_cast %get3A_468 : vector<16xf32> to vector<16xf32>
      %get3A_470 = arith.constant 448 : index
      %get3A_471 = tpu.vector_load %arg11[%get3A_470] {strides = array<i32>} : memref<512xf32, #tpu.memory_space<vmem>>, vector<16xf32>,
      %get3A_472 = vector.shape_cast %get3A_471 : vector<16xf32> to vector<16xf32>
      %max3A_473 = arith.constant 1.000000e+00 : f32
      %max3A_474 = vector.broadcast %max3A_473 : f32 to vector<16xf32>
      %max3A_475 = arith.maximumf %get3A_472, %max3A_474 : vector<16xf32>
      %div3A_476 = arith.divf %get3A_469, %max3A_475 : vector<16xf32>
      %swap3A_477 = arith.constant 448 : index
      %swap3A_478 = tpu.vector_load %arg12[%swap3A_477] {strides = array<i32>} : memref<512xf32, #tpu.memory_space<vmem>>, vector<16xf32>,
      %swap3A_479 = vector.shape_cast %swap3A_478 : vector<16xf32> to vector<16xf32>
      %swap3A_480 = vector.shape_cast %div3A_476 : vector<16xf32> to vector<16xf32>
      tpu.vector_store %arg12[%swap3A_477], %swap3A_480 {strides = array<i32>} : memref<512xf32, #tpu.memory_space<vmem>>, vector<16xf32>,
      %get3A_481 = arith.constant 464 : index
      %get3A_482 = tpu.vector_load %arg10[%get3A_481] {strides = array<i32>} : memref<512xf32, #tpu.memory_space<vmem>>, vector<16xf32>,
      %get3A_483 = vector.shape_cast %get3A_482 : vector<16xf32> to vector<16xf32>
      %get3A_484 = arith.constant 464 : index
      %get3A_485 = tpu.vector_load %arg11[%get3A_484] {strides = array<i32>} : memref<512xf32, #tpu.memory_space<vmem>>, vector<16xf32>,
      %get3A_486 = vector.shape_cast %get3A_485 : vector<16xf32> to vector<16xf32>
      %max3A_487 = arith.constant 1.000000e+00 : f32
      %max3A_488 = vector.broadcast %max3A_487 : f32 to vector<16xf32>
      %max3A_489 = arith.maximumf %get3A_486, %max3A_488 : vector<16xf32>
      %div3A_490 = arith.divf %get3A_483, %max3A_489 : vector<16xf32>
      %swap3A_491 = arith.constant 464 : index
      %swap3A_492 = tpu.vector_load %arg12[%swap3A_491] {strides = array<i32>} : memref<512xf32, #tpu.memory_space<vmem>>, vector<16xf32>,
      %swap3A_493 = vector.shape_cast %swap3A_492 : vector<16xf32> to vector<16xf32>
      %swap3A_494 = vector.shape_cast %div3A_490 : vector<16xf32> to vector<16xf32>
      tpu.vector_store %arg12[%swap3A_491], %swap3A_494 {strides = array<i32>} : memref<512xf32, #tpu.memory_space<vmem>>, vector<16xf32>,
      %get3A_495 = arith.constant 480 : index
      %get3A_496 = tpu.vector_load %arg10[%get3A_495] {strides = array<i32>} : memref<512xf32, #tpu.memory_space<vmem>>, vector<16xf32>,
      %get3A_497 = vector.shape_cast %get3A_496 : vector<16xf32> to vector<16xf32>
      %get3A_498 = arith.constant 480 : index
      %get3A_499 = tpu.vector_load %arg11[%get3A_498] {strides = array<i32>} : memref<512xf32, #tpu.memory_space<vmem>>, vector<16xf32>,
      %get3A_500 = vector.shape_cast %get3A_499 : vector<16xf32> to vector<16xf32>
      %max3A_501 = arith.constant 1.000000e+00 : f32
      %max3A_502 = vector.broadcast %max3A_501 : f32 to vector<16xf32>
      %max3A_503 = arith.maximumf %get3A_500, %max3A_502 : vector<16xf32>
      %div3A_504 = arith.divf %get3A_497, %max3A_503 : vector<16xf32>
      %swap3A_505 = arith.constant 480 : index
      %swap3A_506 = tpu.vector_load %arg12[%swap3A_505] {strides = array<i32>} : memref<512xf32, #tpu.memory_space<vmem>>, vector<16xf32>,
      %swap3A_507 = vector.shape_cast %swap3A_506 : vector<16xf32> to vector<16xf32>
      %swap3A_508 = vector.shape_cast %div3A_504 : vector<16xf32> to vector<16xf32>
      tpu.vector_store %arg12[%swap3A_505], %swap3A_508 {strides = array<i32>} : memref<512xf32, #tpu.memory_space<vmem>>, vector<16xf32>,
      %get3A_509 = arith.constant 496 : index
      %get3A_510 = tpu.vector_load %arg10[%get3A_509] {strides = array<i32>} : memref<512xf32, #tpu.memory_space<vmem>>, vector<16xf32>,
      %get3A_511 = vector.shape_cast %get3A_510 : vector<16xf32> to vector<16xf32>
      %get3A_512 = arith.constant 496 : index
      %get3A_513 = tpu.vector_load %arg11[%get3A_512] {strides = array<i32>} : memref<512xf32, #tpu.memory_space<vmem>>, vector<16xf32>,
      %get3A_514 = vector.shape_cast %get3A_513 : vector<16xf32> to vector<16xf32>
      %max3A_515 = arith.constant 1.000000e+00 : f32
      %max3A_516 = vector.broadcast %max3A_515 : f32 to vector<16xf32>
      %max3A_517 = arith.maximumf %get3A_514, %max3A_516 : vector<16xf32>
      %div3A_518 = arith.divf %get3A_511, %max3A_517 : vector<16xf32>
      %swap3A_519 = arith.constant 496 : index
      %swap3A_520 = tpu.vector_load %arg12[%swap3A_519] {strides = array<i32>} : memref<512xf32, #tpu.memory_space<vmem>>, vector<16xf32>,
      %swap3A_521 = vector.shape_cast %swap3A_520 : vector<16xf32> to vector<16xf32>
      %swap3A_522 = vector.shape_cast %div3A_518 : vector<16xf32> to vector<16xf32>
      tpu.vector_store %arg12[%swap3A_519], %swap3A_522 {strides = array<i32>} : memref<512xf32, #tpu.memory_space<vmem>>, vector<16xf32>,
      "tpu.region"() ({
        %run_scoped3A_523 = tpu.sem_alloc : memref<!tpu.dma_semaphore, #tpu.memory_space<semaphore_mem>>
        tpu.enqueue_dma source(%arg12 : memref<512xf32, #tpu.memory_space<vmem>>) target(%arg4 : memref<512xf32, #tpu.memory_space<hbm>>) target_semaphore(%run_scoped3A_523 : memref<!tpu.dma_semaphore, #tpu.memory_space<semaphore_mem>>)
        tpu.wait_dma2 semaphore(%run_scoped3A_523 : memref<!tpu.dma_semaphore, #tpu.memory_space<semaphore_mem>>) src(%arg12 : memref<512xf32, #tpu.memory_space<vmem>>) dst(%arg4 : memref<512xf32, #tpu.memory_space<hbm>>)
        tpu.yield
      }) : () -> ()
    } else {
    }
    return
  }
}

module attributes {stable_mosaic.version = 14 : i64} {
  func.func @_loss_body(%arg0: i32, %arg1: memref<512x4096xf32, #tpu.memory_space<vmem>>, %arg2: memref<1x512x1xi32, #tpu.memory_space<vmem>>, %arg3: memref<1x512x1xf32, #tpu.memory_space<vmem>>) attributes {dimension_semantics = [#tpu.dimension_semantics<arbitrary>], iteration_bounds = array<i64: 32>, scalar_prefetch = 0 : i64, scratch_operands = 0 : i64, tpu.core_type = #tpu.core_type<tc>, window_params = [{transform_indices = @transform_0, window_bounds = array<i64: 512, 4096>}, {transform_indices = @transform_1, window_bounds = array<i64: 1, 512, 1>}, {transform_indices = @transform_2, window_bounds = array<i64: 1, 512, 1>}]} {
    %get3A = arith.constant 0 : index
    %get3A_0 = arith.constant 0 : index
    %get3A_1 = vector.load %arg1[%get3A, %get3A_0] : memref<512x4096xf32, #tpu.memory_space<vmem>>, vector<512x4096xf32>
    %get3A_2 = arith.constant 0 : index
    %get3A_3 = arith.constant 0 : index
    %get3A_4 = arith.constant 0 : index
    %get3A_5 = vector.load %arg2[%get3A_2, %get3A_3, %get3A_4] : memref<1x512x1xi32, #tpu.memory_space<vmem>>, vector<1x512x1xi32>
    %get3A_6 = vector.shape_cast %get3A_5 : vector<1x512x1xi32> to vector<512x1xi32>
    %convert_element_type3A = arith.trunci %get3A_6 : vector<512x1xi32> to vector<512x1xi16>
    %iota3A = tpu.iota {dimensions = array<i32: 1>} : vector<512x4096xi16>
    %eq3A = vector.broadcast %convert_element_type3A : vector<512x1xi16> to vector<512x4096xi16>
    %eq3A_7 = arith.cmpi eq, %iota3A, %eq3A : vector<512x4096xi16>
    %convert_element_type3A_8 = arith.truncf %get3A_1 : vector<512x4096xf32> to vector<512x4096xbf16>
    %jit3A = arith.constant 0.000000e+00 : bf16
    %broadcast_in_dim3A = vector.broadcast %jit3A : bf16 to vector<512x4096xbf16>
    %select_n3A = arith.select %eq3A_7, %convert_element_type3A_8, %broadcast_in_dim3A : vector<512x4096xi1>, vector<512x4096xbf16>
    %reduce_sum3A = arith.constant dense<0.000000e+00> : vector<512xbf16>
    %reduce_sum3A_9 = vector.multi_reduction <add>, %select_n3A, %reduce_sum3A [1] : vector<512x4096xbf16> to vector<512xbf16>
    %broadcast_in_dim3A_10 = vector.shape_cast %reduce_sum3A_9 : vector<512xbf16> to vector<512x1xbf16>
    %convert_element_type3A_11 = arith.extf %broadcast_in_dim3A_10 : vector<512x1xbf16> to vector<512x1xf32>
    %jit3A_12 = arith.constant -1.000260e+30 : bf16
    %broadcast_in_dim3A_13 = vector.broadcast %jit3A_12 : bf16 to vector<512x4096xbf16>
    %select_n3A_14 = arith.select %eq3A_7, %broadcast_in_dim3A_13, %convert_element_type3A_8 : vector<512x4096xi1>, vector<512x4096xbf16>
    %reduce_max3A = arith.constant dense<0xFF80> : vector<512xbf16>
    %reduce_max3A_15 = vector.multi_reduction <maximumf>, %select_n3A_14, %reduce_max3A [1] : vector<512x4096xbf16> to vector<512xbf16>
    %broadcast_in_dim3A_16 = vector.shape_cast %reduce_max3A_15 : vector<512xbf16> to vector<512x1xbf16>
    %convert_element_type3A_17 = arith.extf %broadcast_in_dim3A_16 : vector<512x1xbf16> to vector<512x1xf32>
    %max3A = arith.maximumf %convert_element_type3A_11, %convert_element_type3A_17 : vector<512x1xf32>
    %sub3A = arith.subf %convert_element_type3A_11, %max3A : vector<512x1xf32>
    %exp3A = math.exp %sub3A : vector<512x1xf32>
    %broadcast_in_dim3A_18 = arith.constant 1.000000e+01 : f32
    %broadcast_in_dim3A_19 = vector.broadcast %broadcast_in_dim3A_18 : f32 to vector<512x1xf32>
    %eq3A_20 = vector.broadcast %broadcast_in_dim3A_16 : vector<512x1xbf16> to vector<512x4096xbf16>
    %eq3A_21 = arith.cmpf oeq, %select_n3A_14, %eq3A_20 : vector<512x4096xbf16>
    %jit3A_22 = arith.constant -6.646130e+35 : bf16
    %broadcast_in_dim3A_23 = vector.broadcast %jit3A_22 : bf16 to vector<512x4096xbf16>
    %select_n3A_24 = arith.select %eq3A_21, %broadcast_in_dim3A_23, %select_n3A_14 : vector<512x4096xi1>, vector<512x4096xbf16>
    %convert_element_type3A_25 = arith.extf %broadcast_in_dim3A_16 : vector<512x1xbf16> to vector<512x1xf32>
    %sub3A_26 = arith.subf %convert_element_type3A_25, %max3A : vector<512x1xf32>
    %exp3A_27 = math.exp %sub3A_26 : vector<512x1xf32>
    %add3A = arith.addf %exp3A, %exp3A_27 : vector<512x1xf32>
    %reduce_max3A_28 = arith.constant dense<0xFF80> : vector<512xbf16>
    %reduce_max3A_29 = vector.multi_reduction <maximumf>, %select_n3A_24, %reduce_max3A_28 [1] : vector<512x4096xbf16> to vector<512xbf16>
    %broadcast_in_dim3A_30 = vector.shape_cast %reduce_max3A_29 : vector<512xbf16> to vector<512x1xbf16>
    %eq3A_31 = vector.broadcast %broadcast_in_dim3A_30 : vector<512x1xbf16> to vector<512x4096xbf16>
    %eq3A_32 = arith.cmpf oeq, %select_n3A_24, %eq3A_31 : vector<512x4096xbf16>
    %jit3A_33 = arith.constant -6.646130e+35 : bf16
    %broadcast_in_dim3A_34 = vector.broadcast %jit3A_33 : bf16 to vector<512x4096xbf16>
    %select_n3A_35 = arith.select %eq3A_32, %broadcast_in_dim3A_34, %select_n3A_24 : vector<512x4096xi1>, vector<512x4096xbf16>
    %convert_element_type3A_36 = arith.extf %broadcast_in_dim3A_30 : vector<512x1xbf16> to vector<512x1xf32>
    %sub3A_37 = arith.subf %convert_element_type3A_36, %max3A : vector<512x1xf32>
    %exp3A_38 = math.exp %sub3A_37 : vector<512x1xf32>
    %add3A_39 = arith.addf %add3A, %exp3A_38 : vector<512x1xf32>
    %reduce_max3A_40 = arith.constant dense<0xFF80> : vector<512xbf16>
    %reduce_max3A_41 = vector.multi_reduction <maximumf>, %select_n3A_35, %reduce_max3A_40 [1] : vector<512x4096xbf16> to vector<512xbf16>
    %broadcast_in_dim3A_42 = vector.shape_cast %reduce_max3A_41 : vector<512xbf16> to vector<512x1xbf16>
    %eq3A_43 = vector.broadcast %broadcast_in_dim3A_42 : vector<512x1xbf16> to vector<512x4096xbf16>
    %eq3A_44 = arith.cmpf oeq, %select_n3A_35, %eq3A_43 : vector<512x4096xbf16>
    %jit3A_45 = arith.constant -6.646130e+35 : bf16
    %broadcast_in_dim3A_46 = vector.broadcast %jit3A_45 : bf16 to vector<512x4096xbf16>
    %select_n3A_47 = arith.select %eq3A_44, %broadcast_in_dim3A_46, %select_n3A_35 : vector<512x4096xi1>, vector<512x4096xbf16>
    %convert_element_type3A_48 = arith.extf %broadcast_in_dim3A_42 : vector<512x1xbf16> to vector<512x1xf32>
    %sub3A_49 = arith.subf %convert_element_type3A_48, %max3A : vector<512x1xf32>
    %exp3A_50 = math.exp %sub3A_49 : vector<512x1xf32>
    %add3A_51 = arith.addf %add3A_39, %exp3A_50 : vector<512x1xf32>
    %reduce_max3A_52 = arith.constant dense<0xFF80> : vector<512xbf16>
    %reduce_max3A_53 = vector.multi_reduction <maximumf>, %select_n3A_47, %reduce_max3A_52 [1] : vector<512x4096xbf16> to vector<512xbf16>
    %broadcast_in_dim3A_54 = vector.shape_cast %reduce_max3A_53 : vector<512xbf16> to vector<512x1xbf16>
    %eq3A_55 = vector.broadcast %broadcast_in_dim3A_54 : vector<512x1xbf16> to vector<512x4096xbf16>
    %eq3A_56 = arith.cmpf oeq, %select_n3A_47, %eq3A_55 : vector<512x4096xbf16>
    %jit3A_57 = arith.constant -6.646130e+35 : bf16
    %broadcast_in_dim3A_58 = vector.broadcast %jit3A_57 : bf16 to vector<512x4096xbf16>
    %select_n3A_59 = arith.select %eq3A_56, %broadcast_in_dim3A_58, %select_n3A_47 : vector<512x4096xi1>, vector<512x4096xbf16>
    %convert_element_type3A_60 = arith.extf %broadcast_in_dim3A_54 : vector<512x1xbf16> to vector<512x1xf32>
    %sub3A_61 = arith.subf %convert_element_type3A_60, %max3A : vector<512x1xf32>
    %exp3A_62 = math.exp %sub3A_61 : vector<512x1xf32>
    %add3A_63 = arith.addf %add3A_51, %exp3A_62 : vector<512x1xf32>
    %reduce_max3A_64 = arith.constant dense<0xFF80> : vector<512xbf16>
    %reduce_max3A_65 = vector.multi_reduction <maximumf>, %select_n3A_59, %reduce_max3A_64 [1] : vector<512x4096xbf16> to vector<512xbf16>
    %broadcast_in_dim3A_66 = vector.shape_cast %reduce_max3A_65 : vector<512xbf16> to vector<512x1xbf16>
    %eq3A_67 = vector.broadcast %broadcast_in_dim3A_66 : vector<512x1xbf16> to vector<512x4096xbf16>
    %eq3A_68 = arith.cmpf oeq, %select_n3A_59, %eq3A_67 : vector<512x4096xbf16>
    %jit3A_69 = arith.constant -6.646130e+35 : bf16
    %broadcast_in_dim3A_70 = vector.broadcast %jit3A_69 : bf16 to vector<512x4096xbf16>
    %select_n3A_71 = arith.select %eq3A_68, %broadcast_in_dim3A_70, %select_n3A_59 : vector<512x4096xi1>, vector<512x4096xbf16>
    %convert_element_type3A_72 = arith.extf %broadcast_in_dim3A_66 : vector<512x1xbf16> to vector<512x1xf32>
    %sub3A_73 = arith.subf %convert_element_type3A_72, %max3A : vector<512x1xf32>
    %exp3A_74 = math.exp %sub3A_73 : vector<512x1xf32>
    %add3A_75 = arith.addf %add3A_63, %exp3A_74 : vector<512x1xf32>
    %reduce_max3A_76 = arith.constant dense<0xFF80> : vector<512xbf16>
    %reduce_max3A_77 = vector.multi_reduction <maximumf>, %select_n3A_71, %reduce_max3A_76 [1] : vector<512x4096xbf16> to vector<512xbf16>
    %broadcast_in_dim3A_78 = vector.shape_cast %reduce_max3A_77 : vector<512xbf16> to vector<512x1xbf16>
    %eq3A_79 = vector.broadcast %broadcast_in_dim3A_78 : vector<512x1xbf16> to vector<512x4096xbf16>
    %eq3A_80 = arith.cmpf oeq, %select_n3A_71, %eq3A_79 : vector<512x4096xbf16>
    %jit3A_81 = arith.constant -6.646130e+35 : bf16
    %broadcast_in_dim3A_82 = vector.broadcast %jit3A_81 : bf16 to vector<512x4096xbf16>
    %select_n3A_83 = arith.select %eq3A_80, %broadcast_in_dim3A_82, %select_n3A_71 : vector<512x4096xi1>, vector<512x4096xbf16>
    %convert_element_type3A_84 = arith.extf %broadcast_in_dim3A_78 : vector<512x1xbf16> to vector<512x1xf32>
    %sub3A_85 = arith.subf %convert_element_type3A_84, %max3A : vector<512x1xf32>
    %exp3A_86 = math.exp %sub3A_85 : vector<512x1xf32>
    %add3A_87 = arith.addf %add3A_75, %exp3A_86 : vector<512x1xf32>
    %reduce_max3A_88 = arith.constant dense<0xFF80> : vector<512xbf16>
    %reduce_max3A_89 = vector.multi_reduction <maximumf>, %select_n3A_83, %reduce_max3A_88 [1] : vector<512x4096xbf16> to vector<512xbf16>
    %broadcast_in_dim3A_90 = vector.shape_cast %reduce_max3A_89 : vector<512xbf16> to vector<512x1xbf16>
    %eq3A_91 = vector.broadcast %broadcast_in_dim3A_90 : vector<512x1xbf16> to vector<512x4096xbf16>
    %eq3A_92 = arith.cmpf oeq, %select_n3A_83, %eq3A_91 : vector<512x4096xbf16>
    %jit3A_93 = arith.constant -6.646130e+35 : bf16
    %broadcast_in_dim3A_94 = vector.broadcast %jit3A_93 : bf16 to vector<512x4096xbf16>
    %select_n3A_95 = arith.select %eq3A_92, %broadcast_in_dim3A_94, %select_n3A_83 : vector<512x4096xi1>, vector<512x4096xbf16>
    %convert_element_type3A_96 = arith.extf %broadcast_in_dim3A_90 : vector<512x1xbf16> to vector<512x1xf32>
    %sub3A_97 = arith.subf %convert_element_type3A_96, %max3A : vector<512x1xf32>
    %exp3A_98 = math.exp %sub3A_97 : vector<512x1xf32>
    %add3A_99 = arith.addf %add3A_87, %exp3A_98 : vector<512x1xf32>
    %reduce_max3A_100 = arith.constant dense<0xFF80> : vector<512xbf16>
    %reduce_max3A_101 = vector.multi_reduction <maximumf>, %select_n3A_95, %reduce_max3A_100 [1] : vector<512x4096xbf16> to vector<512xbf16>
    %broadcast_in_dim3A_102 = vector.shape_cast %reduce_max3A_101 : vector<512xbf16> to vector<512x1xbf16>
    %eq3A_103 = vector.broadcast %broadcast_in_dim3A_102 : vector<512x1xbf16> to vector<512x4096xbf16>
    %eq3A_104 = arith.cmpf oeq, %select_n3A_95, %eq3A_103 : vector<512x4096xbf16>
    %jit3A_105 = arith.constant -6.646130e+35 : bf16
    %broadcast_in_dim3A_106 = vector.broadcast %jit3A_105 : bf16 to vector<512x4096xbf16>
    %select_n3A_107 = arith.select %eq3A_104, %broadcast_in_dim3A_106, %select_n3A_95 : vector<512x4096xi1>, vector<512x4096xbf16>
    %convert_element_type3A_108 = arith.extf %broadcast_in_dim3A_102 : vector<512x1xbf16> to vector<512x1xf32>
    %sub3A_109 = arith.subf %convert_element_type3A_108, %max3A : vector<512x1xf32>
    %exp3A_110 = math.exp %sub3A_109 : vector<512x1xf32>
    %add3A_111 = arith.addf %add3A_99, %exp3A_110 : vector<512x1xf32>
    %reduce_max3A_112 = arith.constant dense<0xFF80> : vector<512xbf16>
    %reduce_max3A_113 = vector.multi_reduction <maximumf>, %select_n3A_107, %reduce_max3A_112 [1] : vector<512x4096xbf16> to vector<512xbf16>
    %broadcast_in_dim3A_114 = vector.shape_cast %reduce_max3A_113 : vector<512xbf16> to vector<512x1xbf16>
    %eq3A_115 = vector.broadcast %broadcast_in_dim3A_114 : vector<512x1xbf16> to vector<512x4096xbf16>
    %eq3A_116 = arith.cmpf oeq, %select_n3A_107, %eq3A_115 : vector<512x4096xbf16>
    %jit3A_117 = arith.constant -6.646130e+35 : bf16
    %broadcast_in_dim3A_118 = vector.broadcast %jit3A_117 : bf16 to vector<512x4096xbf16>
    %select_n3A_119 = arith.select %eq3A_116, %broadcast_in_dim3A_118, %select_n3A_107 : vector<512x4096xi1>, vector<512x4096xbf16>
    %convert_element_type3A_120 = arith.extf %broadcast_in_dim3A_114 : vector<512x1xbf16> to vector<512x1xf32>
    %sub3A_121 = arith.subf %convert_element_type3A_120, %max3A : vector<512x1xf32>
    %exp3A_122 = math.exp %sub3A_121 : vector<512x1xf32>
    %add3A_123 = arith.addf %add3A_111, %exp3A_122 : vector<512x1xf32>
    %reduce_max3A_124 = arith.constant dense<0xFF80> : vector<512xbf16>
    %reduce_max3A_125 = vector.multi_reduction <maximumf>, %select_n3A_119, %reduce_max3A_124 [1] : vector<512x4096xbf16> to vector<512xbf16>
    %broadcast_in_dim3A_126 = vector.shape_cast %reduce_max3A_125 : vector<512xbf16> to vector<512x1xbf16>
    %eq3A_127 = vector.broadcast %broadcast_in_dim3A_126 : vector<512x1xbf16> to vector<512x4096xbf16>
    %eq3A_128 = arith.cmpf oeq, %select_n3A_119, %eq3A_127 : vector<512x4096xbf16>
    %jit3A_129 = arith.constant -6.646130e+35 : bf16
    %broadcast_in_dim3A_130 = vector.broadcast %jit3A_129 : bf16 to vector<512x4096xbf16>
    %select_n3A_131 = arith.select %eq3A_128, %broadcast_in_dim3A_130, %select_n3A_119 : vector<512x4096xi1>, vector<512x4096xbf16>
    %convert_element_type3A_132 = arith.extf %broadcast_in_dim3A_126 : vector<512x1xbf16> to vector<512x1xf32>
    %sub3A_133 = arith.subf %convert_element_type3A_132, %max3A : vector<512x1xf32>
    %exp3A_134 = math.exp %sub3A_133 : vector<512x1xf32>
    %add3A_135 = arith.addf %add3A_123, %exp3A_134 : vector<512x1xf32>
    %reduce_max3A_136 = arith.constant dense<0xFF80> : vector<512xbf16>
    %reduce_max3A_137 = vector.multi_reduction <maximumf>, %select_n3A_131, %reduce_max3A_136 [1] : vector<512x4096xbf16> to vector<512xbf16>
    %broadcast_in_dim3A_138 = vector.shape_cast %reduce_max3A_137 : vector<512xbf16> to vector<512x1xbf16>
    %eq3A_139 = vector.broadcast %broadcast_in_dim3A_138 : vector<512x1xbf16> to vector<512x4096xbf16>
    %eq3A_140 = arith.cmpf oeq, %select_n3A_131, %eq3A_139 : vector<512x4096xbf16>
    %jit3A_141 = arith.constant -6.646130e+35 : bf16
    %broadcast_in_dim3A_142 = vector.broadcast %jit3A_141 : bf16 to vector<512x4096xbf16>
    %select_n3A_143 = arith.select %eq3A_140, %broadcast_in_dim3A_142, %select_n3A_131 : vector<512x4096xi1>, vector<512x4096xbf16>
    %reduce_sum3A_144 = arith.constant dense<0.000000e+00> : vector<512xbf16>
    %reduce_sum3A_145 = vector.multi_reduction <add>, %select_n3A_143, %reduce_sum3A_144 [1] : vector<512x4096xbf16> to vector<512xbf16>
    %broadcast_in_dim3A_146 = vector.shape_cast %reduce_sum3A_145 : vector<512xbf16> to vector<512x1xbf16>
    %convert_element_type3A_147 = arith.extf %broadcast_in_dim3A_146 : vector<512x1xbf16> to vector<512x1xf32>
    %mul3A = arith.constant -1.50463277E-36 : f32
    %mul3A_148 = vector.broadcast %mul3A : f32 to vector<512x1xf32>
    %mul3A_149 = arith.mulf %convert_element_type3A_147, %mul3A_148 : vector<512x1xf32>
    %min3A = arith.constant 1.638400e+04 : f32
    %min3A_150 = vector.broadcast %min3A : f32 to vector<512x1xf32>
    %min3A_151 = arith.minimumf %mul3A_149, %min3A_150 : vector<512x1xf32>
    %sub3A_152 = arith.constant 1.000000e+01 : f32
    %sub3A_153 = vector.broadcast %sub3A_152 : f32 to vector<512x1xf32>
    %sub3A_154 = arith.subf %min3A_151, %sub3A_153 : vector<512x1xf32>
    %max3A_155 = arith.constant 0.000000e+00 : f32
    %max3A_156 = vector.broadcast %max3A_155 : f32 to vector<512x1xf32>
    %max3A_157 = arith.maximumf %sub3A_154, %max3A_156 : vector<512x1xf32>
    %min3A_158 = arith.minimumf %max3A_157, %broadcast_in_dim3A_19 : vector<512x1xf32>
    %convert_element_type3A_159 = arith.extf %broadcast_in_dim3A_138 : vector<512x1xbf16> to vector<512x1xf32>
    %sub3A_160 = arith.subf %convert_element_type3A_159, %max3A : vector<512x1xf32>
    %exp3A_161 = math.exp %sub3A_160 : vector<512x1xf32>
    %mul3A_162 = arith.mulf %min3A_158, %exp3A_161 : vector<512x1xf32>
    %add3A_163 = arith.addf %add3A_135, %mul3A_162 : vector<512x1xf32>
    %sub3A_164 = arith.subf %broadcast_in_dim3A_19, %min3A_158 : vector<512x1xf32>
    %reduce_max3A_165 = arith.constant dense<0xFF80> : vector<512xbf16>
    %reduce_max3A_166 = vector.multi_reduction <maximumf>, %select_n3A_143, %reduce_max3A_165 [1] : vector<512x4096xbf16> to vector<512xbf16>
    %broadcast_in_dim3A_167 = vector.shape_cast %reduce_max3A_166 : vector<512xbf16> to vector<512x1xbf16>
    %eq3A_168 = vector.broadcast %broadcast_in_dim3A_167 : vector<512x1xbf16> to vector<512x4096xbf16>
    %eq3A_169 = arith.cmpf oeq, %select_n3A_143, %eq3A_168 : vector<512x4096xbf16>
    %jit3A_170 = arith.constant -6.646130e+35 : bf16
    %broadcast_in_dim3A_171 = vector.broadcast %jit3A_170 : bf16 to vector<512x4096xbf16>
    %select_n3A_172 = arith.select %eq3A_169, %broadcast_in_dim3A_171, %select_n3A_143 : vector<512x4096xi1>, vector<512x4096xbf16>
    %reduce_sum3A_173 = arith.constant dense<0.000000e+00> : vector<512xbf16>
    %reduce_sum3A_174 = vector.multi_reduction <add>, %select_n3A_172, %reduce_sum3A_173 [1] : vector<512x4096xbf16> to vector<512xbf16>
    %broadcast_in_dim3A_175 = vector.shape_cast %reduce_sum3A_174 : vector<512xbf16> to vector<512x1xbf16>
    %convert_element_type3A_176 = arith.extf %broadcast_in_dim3A_175 : vector<512x1xbf16> to vector<512x1xf32>
    %mul3A_177 = arith.constant -1.50463277E-36 : f32
    %mul3A_178 = vector.broadcast %mul3A_177 : f32 to vector<512x1xf32>
    %mul3A_179 = arith.mulf %convert_element_type3A_176, %mul3A_178 : vector<512x1xf32>
    %min3A_180 = arith.constant 1.638400e+04 : f32
    %min3A_181 = vector.broadcast %min3A_180 : f32 to vector<512x1xf32>
    %min3A_182 = arith.minimumf %mul3A_179, %min3A_181 : vector<512x1xf32>
    %sub3A_183 = arith.subf %min3A_182, %min3A_151 : vector<512x1xf32>
    %max3A_184 = arith.constant 0.000000e+00 : f32
    %max3A_185 = vector.broadcast %max3A_184 : f32 to vector<512x1xf32>
    %max3A_186 = arith.maximumf %sub3A_183, %max3A_185 : vector<512x1xf32>
    %min3A_187 = arith.minimumf %max3A_186, %sub3A_164 : vector<512x1xf32>
    %convert_element_type3A_188 = arith.extf %broadcast_in_dim3A_167 : vector<512x1xbf16> to vector<512x1xf32>
    %sub3A_189 = arith.subf %convert_element_type3A_188, %max3A : vector<512x1xf32>
    %exp3A_190 = math.exp %sub3A_189 : vector<512x1xf32>
    %mul3A_191 = arith.mulf %min3A_187, %exp3A_190 : vector<512x1xf32>
    %add3A_192 = arith.addf %add3A_163, %mul3A_191 : vector<512x1xf32>
    %sub3A_193 = arith.subf %sub3A_164, %min3A_187 : vector<512x1xf32>
    %reduce_max3A_194 = arith.constant dense<0xFF80> : vector<512xbf16>
    %reduce_max3A_195 = vector.multi_reduction <maximumf>, %select_n3A_172, %reduce_max3A_194 [1] : vector<512x4096xbf16> to vector<512xbf16>
    %broadcast_in_dim3A_196 = vector.shape_cast %reduce_max3A_195 : vector<512xbf16> to vector<512x1xbf16>
    %eq3A_197 = vector.broadcast %broadcast_in_dim3A_196 : vector<512x1xbf16> to vector<512x4096xbf16>
    %eq3A_198 = arith.cmpf oeq, %select_n3A_172, %eq3A_197 : vector<512x4096xbf16>
    %jit3A_199 = arith.constant -6.646130e+35 : bf16
    %broadcast_in_dim3A_200 = vector.broadcast %jit3A_199 : bf16 to vector<512x4096xbf16>
    %select_n3A_201 = arith.select %eq3A_198, %broadcast_in_dim3A_200, %select_n3A_172 : vector<512x4096xi1>, vector<512x4096xbf16>
    %reduce_sum3A_202 = arith.constant dense<0.000000e+00> : vector<512xbf16>
    %reduce_sum3A_203 = vector.multi_reduction <add>, %select_n3A_201, %reduce_sum3A_202 [1] : vector<512x4096xbf16> to vector<512xbf16>
    %broadcast_in_dim3A_204 = vector.shape_cast %reduce_sum3A_203 : vector<512xbf16> to vector<512x1xbf16>
    %convert_element_type3A_205 = arith.extf %broadcast_in_dim3A_204 : vector<512x1xbf16> to vector<512x1xf32>
    %mul3A_206 = arith.constant -1.50463277E-36 : f32
    %mul3A_207 = vector.broadcast %mul3A_206 : f32 to vector<512x1xf32>
    %mul3A_208 = arith.mulf %convert_element_type3A_205, %mul3A_207 : vector<512x1xf32>
    %min3A_209 = arith.constant 1.638400e+04 : f32
    %min3A_210 = vector.broadcast %min3A_209 : f32 to vector<512x1xf32>
    %min3A_211 = arith.minimumf %mul3A_208, %min3A_210 : vector<512x1xf32>
    %sub3A_212 = arith.subf %min3A_211, %min3A_182 : vector<512x1xf32>
    %max3A_213 = arith.constant 0.000000e+00 : f32
    %max3A_214 = vector.broadcast %max3A_213 : f32 to vector<512x1xf32>
    %max3A_215 = arith.maximumf %sub3A_212, %max3A_214 : vector<512x1xf32>
    %min3A_216 = arith.minimumf %max3A_215, %sub3A_193 : vector<512x1xf32>
    %convert_element_type3A_217 = arith.extf %broadcast_in_dim3A_196 : vector<512x1xbf16> to vector<512x1xf32>
    %sub3A_218 = arith.subf %convert_element_type3A_217, %max3A : vector<512x1xf32>
    %exp3A_219 = math.exp %sub3A_218 : vector<512x1xf32>
    %mul3A_220 = arith.mulf %min3A_216, %exp3A_219 : vector<512x1xf32>
    %add3A_221 = arith.addf %add3A_192, %mul3A_220 : vector<512x1xf32>
    %sub3A_222 = arith.subf %sub3A_193, %min3A_216 : vector<512x1xf32>
    %reduce_max3A_223 = arith.constant dense<0xFF80> : vector<512xbf16>
    %reduce_max3A_224 = vector.multi_reduction <maximumf>, %select_n3A_201, %reduce_max3A_223 [1] : vector<512x4096xbf16> to vector<512xbf16>
    %broadcast_in_dim3A_225 = vector.shape_cast %reduce_max3A_224 : vector<512xbf16> to vector<512x1xbf16>
    %eq3A_226 = vector.broadcast %broadcast_in_dim3A_225 : vector<512x1xbf16> to vector<512x4096xbf16>
    %eq3A_227 = arith.cmpf oeq, %select_n3A_201, %eq3A_226 : vector<512x4096xbf16>
    %jit3A_228 = arith.constant -6.646130e+35 : bf16
    %broadcast_in_dim3A_229 = vector.broadcast %jit3A_228 : bf16 to vector<512x4096xbf16>
    %select_n3A_230 = arith.select %eq3A_227, %broadcast_in_dim3A_229, %select_n3A_201 : vector<512x4096xi1>, vector<512x4096xbf16>
    %reduce_sum3A_231 = arith.constant dense<0.000000e+00> : vector<512xbf16>
    %reduce_sum3A_232 = vector.multi_reduction <add>, %select_n3A_230, %reduce_sum3A_231 [1] : vector<512x4096xbf16> to vector<512xbf16>
    %broadcast_in_dim3A_233 = vector.shape_cast %reduce_sum3A_232 : vector<512xbf16> to vector<512x1xbf16>
    %convert_element_type3A_234 = arith.extf %broadcast_in_dim3A_233 : vector<512x1xbf16> to vector<512x1xf32>
    %mul3A_235 = arith.constant -1.50463277E-36 : f32
    %mul3A_236 = vector.broadcast %mul3A_235 : f32 to vector<512x1xf32>
    %mul3A_237 = arith.mulf %convert_element_type3A_234, %mul3A_236 : vector<512x1xf32>
    %min3A_238 = arith.constant 1.638400e+04 : f32
    %min3A_239 = vector.broadcast %min3A_238 : f32 to vector<512x1xf32>
    %min3A_240 = arith.minimumf %mul3A_237, %min3A_239 : vector<512x1xf32>
    %sub3A_241 = arith.subf %min3A_240, %min3A_211 : vector<512x1xf32>
    %max3A_242 = arith.constant 0.000000e+00 : f32
    %max3A_243 = vector.broadcast %max3A_242 : f32 to vector<512x1xf32>
    %max3A_244 = arith.maximumf %sub3A_241, %max3A_243 : vector<512x1xf32>
    %min3A_245 = arith.minimumf %max3A_244, %sub3A_222 : vector<512x1xf32>
    %convert_element_type3A_246 = arith.extf %broadcast_in_dim3A_225 : vector<512x1xbf16> to vector<512x1xf32>
    %sub3A_247 = arith.subf %convert_element_type3A_246, %max3A : vector<512x1xf32>
    %exp3A_248 = math.exp %sub3A_247 : vector<512x1xf32>
    %mul3A_249 = arith.mulf %min3A_245, %exp3A_248 : vector<512x1xf32>
    %add3A_250 = arith.addf %add3A_221, %mul3A_249 : vector<512x1xf32>
    %sub3A_251 = arith.subf %sub3A_222, %min3A_245 : vector<512x1xf32>
    %reduce_max3A_252 = arith.constant dense<0xFF80> : vector<512xbf16>
    %reduce_max3A_253 = vector.multi_reduction <maximumf>, %select_n3A_230, %reduce_max3A_252 [1] : vector<512x4096xbf16> to vector<512xbf16>
    %broadcast_in_dim3A_254 = vector.shape_cast %reduce_max3A_253 : vector<512xbf16> to vector<512x1xbf16>
    %eq3A_255 = vector.broadcast %broadcast_in_dim3A_254 : vector<512x1xbf16> to vector<512x4096xbf16>
    %eq3A_256 = arith.cmpf oeq, %select_n3A_230, %eq3A_255 : vector<512x4096xbf16>
    %jit3A_257 = arith.constant -6.646130e+35 : bf16
    %broadcast_in_dim3A_258 = vector.broadcast %jit3A_257 : bf16 to vector<512x4096xbf16>
    %select_n3A_259 = arith.select %eq3A_256, %broadcast_in_dim3A_258, %select_n3A_230 : vector<512x4096xi1>, vector<512x4096xbf16>
    %reduce_sum3A_260 = arith.constant dense<0.000000e+00> : vector<512xbf16>
    %reduce_sum3A_261 = vector.multi_reduction <add>, %select_n3A_259, %reduce_sum3A_260 [1] : vector<512x4096xbf16> to vector<512xbf16>
    %broadcast_in_dim3A_262 = vector.shape_cast %reduce_sum3A_261 : vector<512xbf16> to vector<512x1xbf16>
    %convert_element_type3A_263 = arith.extf %broadcast_in_dim3A_262 : vector<512x1xbf16> to vector<512x1xf32>
    %mul3A_264 = arith.constant -1.50463277E-36 : f32
    %mul3A_265 = vector.broadcast %mul3A_264 : f32 to vector<512x1xf32>
    %mul3A_266 = arith.mulf %convert_element_type3A_263, %mul3A_265 : vector<512x1xf32>
    %min3A_267 = arith.constant 1.638400e+04 : f32
    %min3A_268 = vector.broadcast %min3A_267 : f32 to vector<512x1xf32>
    %min3A_269 = arith.minimumf %mul3A_266, %min3A_268 : vector<512x1xf32>
    %sub3A_270 = arith.subf %min3A_269, %min3A_240 : vector<512x1xf32>
    %max3A_271 = arith.constant 0.000000e+00 : f32
    %max3A_272 = vector.broadcast %max3A_271 : f32 to vector<512x1xf32>
    %max3A_273 = arith.maximumf %sub3A_270, %max3A_272 : vector<512x1xf32>
    %min3A_274 = arith.minimumf %max3A_273, %sub3A_251 : vector<512x1xf32>
    %convert_element_type3A_275 = arith.extf %broadcast_in_dim3A_254 : vector<512x1xbf16> to vector<512x1xf32>
    %sub3A_276 = arith.subf %convert_element_type3A_275, %max3A : vector<512x1xf32>
    %exp3A_277 = math.exp %sub3A_276 : vector<512x1xf32>
    %mul3A_278 = arith.mulf %min3A_274, %exp3A_277 : vector<512x1xf32>
    %add3A_279 = arith.addf %add3A_250, %mul3A_278 : vector<512x1xf32>
    %sub3A_280 = arith.subf %sub3A_251, %min3A_274 : vector<512x1xf32>
    %reduce_max3A_281 = arith.constant dense<0xFF80> : vector<512xbf16>
    %reduce_max3A_282 = vector.multi_reduction <maximumf>, %select_n3A_259, %reduce_max3A_281 [1] : vector<512x4096xbf16> to vector<512xbf16>
    %broadcast_in_dim3A_283 = vector.shape_cast %reduce_max3A_282 : vector<512xbf16> to vector<512x1xbf16>
    %eq3A_284 = vector.broadcast %broadcast_in_dim3A_283 : vector<512x1xbf16> to vector<512x4096xbf16>
    %eq3A_285 = arith.cmpf oeq, %select_n3A_259, %eq3A_284 : vector<512x4096xbf16>
    %jit3A_286 = arith.constant -6.646130e+35 : bf16
    %broadcast_in_dim3A_287 = vector.broadcast %jit3A_286 : bf16 to vector<512x4096xbf16>
    %select_n3A_288 = arith.select %eq3A_285, %broadcast_in_dim3A_287, %select_n3A_259 : vector<512x4096xi1>, vector<512x4096xbf16>
    %reduce_sum3A_289 = arith.constant dense<0.000000e+00> : vector<512xbf16>
    %reduce_sum3A_290 = vector.multi_reduction <add>, %select_n3A_288, %reduce_sum3A_289 [1] : vector<512x4096xbf16> to vector<512xbf16>
    %broadcast_in_dim3A_291 = vector.shape_cast %reduce_sum3A_290 : vector<512xbf16> to vector<512x1xbf16>
    %convert_element_type3A_292 = arith.extf %broadcast_in_dim3A_291 : vector<512x1xbf16> to vector<512x1xf32>
    %mul3A_293 = arith.constant -1.50463277E-36 : f32
    %mul3A_294 = vector.broadcast %mul3A_293 : f32 to vector<512x1xf32>
    %mul3A_295 = arith.mulf %convert_element_type3A_292, %mul3A_294 : vector<512x1xf32>
    %min3A_296 = arith.constant 1.638400e+04 : f32
    %min3A_297 = vector.broadcast %min3A_296 : f32 to vector<512x1xf32>
    %min3A_298 = arith.minimumf %mul3A_295, %min3A_297 : vector<512x1xf32>
    %sub3A_299 = arith.subf %min3A_298, %min3A_269 : vector<512x1xf32>
    %max3A_300 = arith.constant 0.000000e+00 : f32
    %max3A_301 = vector.broadcast %max3A_300 : f32 to vector<512x1xf32>
    %max3A_302 = arith.maximumf %sub3A_299, %max3A_301 : vector<512x1xf32>
    %min3A_303 = arith.minimumf %max3A_302, %sub3A_280 : vector<512x1xf32>
    %convert_element_type3A_304 = arith.extf %broadcast_in_dim3A_283 : vector<512x1xbf16> to vector<512x1xf32>
    %sub3A_305 = arith.subf %convert_element_type3A_304, %max3A : vector<512x1xf32>
    %exp3A_306 = math.exp %sub3A_305 : vector<512x1xf32>
    %mul3A_307 = arith.mulf %min3A_303, %exp3A_306 : vector<512x1xf32>
    %add3A_308 = arith.addf %add3A_279, %mul3A_307 : vector<512x1xf32>
    %sub3A_309 = arith.subf %sub3A_280, %min3A_303 : vector<512x1xf32>
    %reduce_max3A_310 = arith.constant dense<0xFF80> : vector<512xbf16>
    %reduce_max3A_311 = vector.multi_reduction <maximumf>, %select_n3A_288, %reduce_max3A_310 [1] : vector<512x4096xbf16> to vector<512xbf16>
    %broadcast_in_dim3A_312 = vector.shape_cast %reduce_max3A_311 : vector<512xbf16> to vector<512x1xbf16>
    %eq3A_313 = vector.broadcast %broadcast_in_dim3A_312 : vector<512x1xbf16> to vector<512x4096xbf16>
    %eq3A_314 = arith.cmpf oeq, %select_n3A_288, %eq3A_313 : vector<512x4096xbf16>
    %jit3A_315 = arith.constant -6.646130e+35 : bf16
    %broadcast_in_dim3A_316 = vector.broadcast %jit3A_315 : bf16 to vector<512x4096xbf16>
    %select_n3A_317 = arith.select %eq3A_314, %broadcast_in_dim3A_316, %select_n3A_288 : vector<512x4096xi1>, vector<512x4096xbf16>
    %reduce_sum3A_318 = arith.constant dense<0.000000e+00> : vector<512xbf16>
    %reduce_sum3A_319 = vector.multi_reduction <add>, %select_n3A_317, %reduce_sum3A_318 [1] : vector<512x4096xbf16> to vector<512xbf16>
    %broadcast_in_dim3A_320 = vector.shape_cast %reduce_sum3A_319 : vector<512xbf16> to vector<512x1xbf16>
    %convert_element_type3A_321 = arith.extf %broadcast_in_dim3A_320 : vector<512x1xbf16> to vector<512x1xf32>
    %mul3A_322 = arith.constant -1.50463277E-36 : f32
    %mul3A_323 = vector.broadcast %mul3A_322 : f32 to vector<512x1xf32>
    %mul3A_324 = arith.mulf %convert_element_type3A_321, %mul3A_323 : vector<512x1xf32>
    %min3A_325 = arith.constant 1.638400e+04 : f32
    %min3A_326 = vector.broadcast %min3A_325 : f32 to vector<512x1xf32>
    %min3A_327 = arith.minimumf %mul3A_324, %min3A_326 : vector<512x1xf32>
    %sub3A_328 = arith.subf %min3A_327, %min3A_298 : vector<512x1xf32>
    %max3A_329 = arith.constant 0.000000e+00 : f32
    %max3A_330 = vector.broadcast %max3A_329 : f32 to vector<512x1xf32>
    %max3A_331 = arith.maximumf %sub3A_328, %max3A_330 : vector<512x1xf32>
    %min3A_332 = arith.minimumf %max3A_331, %sub3A_309 : vector<512x1xf32>
    %convert_element_type3A_333 = arith.extf %broadcast_in_dim3A_312 : vector<512x1xbf16> to vector<512x1xf32>
    %sub3A_334 = arith.subf %convert_element_type3A_333, %max3A : vector<512x1xf32>
    %exp3A_335 = math.exp %sub3A_334 : vector<512x1xf32>
    %mul3A_336 = arith.mulf %min3A_332, %exp3A_335 : vector<512x1xf32>
    %add3A_337 = arith.addf %add3A_308, %mul3A_336 : vector<512x1xf32>
    %sub3A_338 = arith.subf %sub3A_309, %min3A_332 : vector<512x1xf32>
    %reduce_max3A_339 = arith.constant dense<0xFF80> : vector<512xbf16>
    %reduce_max3A_340 = vector.multi_reduction <maximumf>, %select_n3A_317, %reduce_max3A_339 [1] : vector<512x4096xbf16> to vector<512xbf16>
    %broadcast_in_dim3A_341 = vector.shape_cast %reduce_max3A_340 : vector<512xbf16> to vector<512x1xbf16>
    %eq3A_342 = vector.broadcast %broadcast_in_dim3A_341 : vector<512x1xbf16> to vector<512x4096xbf16>
    %eq3A_343 = arith.cmpf oeq, %select_n3A_317, %eq3A_342 : vector<512x4096xbf16>
    %jit3A_344 = arith.constant -6.646130e+35 : bf16
    %broadcast_in_dim3A_345 = vector.broadcast %jit3A_344 : bf16 to vector<512x4096xbf16>
    %select_n3A_346 = arith.select %eq3A_343, %broadcast_in_dim3A_345, %select_n3A_317 : vector<512x4096xi1>, vector<512x4096xbf16>
    %reduce_sum3A_347 = arith.constant dense<0.000000e+00> : vector<512xbf16>
    %reduce_sum3A_348 = vector.multi_reduction <add>, %select_n3A_346, %reduce_sum3A_347 [1] : vector<512x4096xbf16> to vector<512xbf16>
    %broadcast_in_dim3A_349 = vector.shape_cast %reduce_sum3A_348 : vector<512xbf16> to vector<512x1xbf16>
    %convert_element_type3A_350 = arith.extf %broadcast_in_dim3A_349 : vector<512x1xbf16> to vector<512x1xf32>
    %mul3A_351 = arith.constant -1.50463277E-36 : f32
    %mul3A_352 = vector.broadcast %mul3A_351 : f32 to vector<512x1xf32>
    %mul3A_353 = arith.mulf %convert_element_type3A_350, %mul3A_352 : vector<512x1xf32>
    %min3A_354 = arith.constant 1.638400e+04 : f32
    %min3A_355 = vector.broadcast %min3A_354 : f32 to vector<512x1xf32>
    %min3A_356 = arith.minimumf %mul3A_353, %min3A_355 : vector<512x1xf32>
    %sub3A_357 = arith.subf %min3A_356, %min3A_327 : vector<512x1xf32>
    %max3A_358 = arith.constant 0.000000e+00 : f32
    %max3A_359 = vector.broadcast %max3A_358 : f32 to vector<512x1xf32>
    %max3A_360 = arith.maximumf %sub3A_357, %max3A_359 : vector<512x1xf32>
    %min3A_361 = arith.minimumf %max3A_360, %sub3A_338 : vector<512x1xf32>
    %convert_element_type3A_362 = arith.extf %broadcast_in_dim3A_341 : vector<512x1xbf16> to vector<512x1xf32>
    %sub3A_363 = arith.subf %convert_element_type3A_362, %max3A : vector<512x1xf32>
    %exp3A_364 = math.exp %sub3A_363 : vector<512x1xf32>
    %mul3A_365 = arith.mulf %min3A_361, %exp3A_364 : vector<512x1xf32>
    %add3A_366 = arith.addf %add3A_337, %mul3A_365 : vector<512x1xf32>
    %sub3A_367 = arith.subf %sub3A_338, %min3A_361 : vector<512x1xf32>
    %reduce_max3A_368 = arith.constant dense<0xFF80> : vector<512xbf16>
    %reduce_max3A_369 = vector.multi_reduction <maximumf>, %select_n3A_346, %reduce_max3A_368 [1] : vector<512x4096xbf16> to vector<512xbf16>
    %broadcast_in_dim3A_370 = vector.shape_cast %reduce_max3A_369 : vector<512xbf16> to vector<512x1xbf16>
    %eq3A_371 = vector.broadcast %broadcast_in_dim3A_370 : vector<512x1xbf16> to vector<512x4096xbf16>
    %eq3A_372 = arith.cmpf oeq, %select_n3A_346, %eq3A_371 : vector<512x4096xbf16>
    %jit3A_373 = arith.constant -6.646130e+35 : bf16
    %broadcast_in_dim3A_374 = vector.broadcast %jit3A_373 : bf16 to vector<512x4096xbf16>
    %select_n3A_375 = arith.select %eq3A_372, %broadcast_in_dim3A_374, %select_n3A_346 : vector<512x4096xi1>, vector<512x4096xbf16>
    %reduce_sum3A_376 = arith.constant dense<0.000000e+00> : vector<512xbf16>
    %reduce_sum3A_377 = vector.multi_reduction <add>, %select_n3A_375, %reduce_sum3A_376 [1] : vector<512x4096xbf16> to vector<512xbf16>
    %broadcast_in_dim3A_378 = vector.shape_cast %reduce_sum3A_377 : vector<512xbf16> to vector<512x1xbf16>
    %convert_element_type3A_379 = arith.extf %broadcast_in_dim3A_378 : vector<512x1xbf16> to vector<512x1xf32>
    %mul3A_380 = arith.constant -1.50463277E-36 : f32
    %mul3A_381 = vector.broadcast %mul3A_380 : f32 to vector<512x1xf32>
    %mul3A_382 = arith.mulf %convert_element_type3A_379, %mul3A_381 : vector<512x1xf32>
    %min3A_383 = arith.constant 1.638400e+04 : f32
    %min3A_384 = vector.broadcast %min3A_383 : f32 to vector<512x1xf32>
    %min3A_385 = arith.minimumf %mul3A_382, %min3A_384 : vector<512x1xf32>
    %sub3A_386 = arith.subf %min3A_385, %min3A_356 : vector<512x1xf32>
    %max3A_387 = arith.constant 0.000000e+00 : f32
    %max3A_388 = vector.broadcast %max3A_387 : f32 to vector<512x1xf32>
    %max3A_389 = arith.maximumf %sub3A_386, %max3A_388 : vector<512x1xf32>
    %min3A_390 = arith.minimumf %max3A_389, %sub3A_367 : vector<512x1xf32>
    %convert_element_type3A_391 = arith.extf %broadcast_in_dim3A_370 : vector<512x1xbf16> to vector<512x1xf32>
    %sub3A_392 = arith.subf %convert_element_type3A_391, %max3A : vector<512x1xf32>
    %exp3A_393 = math.exp %sub3A_392 : vector<512x1xf32>
    %mul3A_394 = arith.mulf %min3A_390, %exp3A_393 : vector<512x1xf32>
    %add3A_395 = arith.addf %add3A_366, %mul3A_394 : vector<512x1xf32>
    %sub3A_396 = arith.subf %sub3A_367, %min3A_390 : vector<512x1xf32>
    %reduce_max3A_397 = arith.constant dense<0xFF80> : vector<512xbf16>
    %reduce_max3A_398 = vector.multi_reduction <maximumf>, %select_n3A_375, %reduce_max3A_397 [1] : vector<512x4096xbf16> to vector<512xbf16>
    %broadcast_in_dim3A_399 = vector.shape_cast %reduce_max3A_398 : vector<512xbf16> to vector<512x1xbf16>
    %eq3A_400 = vector.broadcast %broadcast_in_dim3A_399 : vector<512x1xbf16> to vector<512x4096xbf16>
    %eq3A_401 = arith.cmpf oeq, %select_n3A_375, %eq3A_400 : vector<512x4096xbf16>
    %jit3A_402 = arith.constant -6.646130e+35 : bf16
    %broadcast_in_dim3A_403 = vector.broadcast %jit3A_402 : bf16 to vector<512x4096xbf16>
    %select_n3A_404 = arith.select %eq3A_401, %broadcast_in_dim3A_403, %select_n3A_375 : vector<512x4096xi1>, vector<512x4096xbf16>
    %reduce_sum3A_405 = arith.constant dense<0.000000e+00> : vector<512xbf16>
    %reduce_sum3A_406 = vector.multi_reduction <add>, %select_n3A_404, %reduce_sum3A_405 [1] : vector<512x4096xbf16> to vector<512xbf16>
    %broadcast_in_dim3A_407 = vector.shape_cast %reduce_sum3A_406 : vector<512xbf16> to vector<512x1xbf16>
    %convert_element_type3A_408 = arith.extf %broadcast_in_dim3A_407 : vector<512x1xbf16> to vector<512x1xf32>
    %mul3A_409 = arith.constant -1.50463277E-36 : f32
    %mul3A_410 = vector.broadcast %mul3A_409 : f32 to vector<512x1xf32>
    %mul3A_411 = arith.mulf %convert_element_type3A_408, %mul3A_410 : vector<512x1xf32>
    %min3A_412 = arith.constant 1.638400e+04 : f32
    %min3A_413 = vector.broadcast %min3A_412 : f32 to vector<512x1xf32>
    %min3A_414 = arith.minimumf %mul3A_411, %min3A_413 : vector<512x1xf32>
    %sub3A_415 = arith.subf %min3A_414, %min3A_385 : vector<512x1xf32>
    %max3A_416 = arith.constant 0.000000e+00 : f32
    %max3A_417 = vector.broadcast %max3A_416 : f32 to vector<512x1xf32>
    %max3A_418 = arith.maximumf %sub3A_415, %max3A_417 : vector<512x1xf32>
    %min3A_419 = arith.minimumf %max3A_418, %sub3A_396 : vector<512x1xf32>
    %convert_element_type3A_420 = arith.extf %broadcast_in_dim3A_399 : vector<512x1xbf16> to vector<512x1xf32>
    %sub3A_421 = arith.subf %convert_element_type3A_420, %max3A : vector<512x1xf32>
    %exp3A_422 = math.exp %sub3A_421 : vector<512x1xf32>
    %mul3A_423 = arith.mulf %min3A_419, %exp3A_422 : vector<512x1xf32>
    %add3A_424 = arith.addf %add3A_395, %mul3A_423 : vector<512x1xf32>
    %log3A = math.log %add3A_424 : vector<512x1xf32>
    %add3A_425 = arith.addf %log3A, %max3A : vector<512x1xf32>
    %sub3A_426 = arith.subf %add3A_425, %convert_element_type3A_11 : vector<512x1xf32>
    %swap3A = arith.constant 0 : index
    %swap3A_427 = arith.constant 0 : index
    %swap3A_428 = arith.constant 0 : index
    %swap3A_429 = vector.load %arg3[%swap3A, %swap3A_427, %swap3A_428] : memref<1x512x1xf32, #tpu.memory_space<vmem>>, vector<1x512x1xf32>
    %swap3A_430 = vector.shape_cast %swap3A_429 : vector<1x512x1xf32> to vector<512x1xf32>
    %swap3A_431 = vector.shape_cast %sub3A_426 : vector<512x1xf32> to vector<1x512x1xf32>
    tpu.vector_store %arg3[%swap3A, %swap3A_427, %swap3A_428], %swap3A_431 {strides = array<i32>} : memref<1x512x1xf32, #tpu.memory_space<vmem>>, vector<1x512x1xf32>,
    return
  }
  func.func @transform_0(%arg0: i32) -> (i32, i32) {
    %c0_i32 = arith.constant 0 : i32
    %c0_i32_0 = arith.constant 0 : i32
    return %arg0, %c0_i32 : i32, i32
  }
  func.func @transform_1(%arg0: i32) -> (i32, i32, i32) {
    %c0_i32 = arith.constant 0 : i32
    %c0_i32_0 = arith.constant 0 : i32
    %c0_i32_1 = arith.constant 0 : i32
    return %arg0, %c0_i32, %c0_i32_0 : i32, i32, i32
  }
  func.func @transform_2(%arg0: i32) -> (i32, i32, i32) {
    %c0_i32 = arith.constant 0 : i32
    %c0_i32_0 = arith.constant 0 : i32
    %c0_i32_1 = arith.constant 0 : i32
    return %arg0, %c0_i32, %c0_i32_0 : i32, i32, i32
  }
}

</mosaic_0001>

<sc_bundles>
// kernel: kernel.4.cloned.1.call-start
scs
__scs_entry_jumppad:
0x0: {  	(pc) =	sbr.rel $0x88, $3  }
0x1: {  	(tag) =	ssettag $0x0;
	lr =	simm.s32 $0x1  }
0x2: {  	[smem:$0x3F9E] =	sst lr;
	_ =	strace $0xD0000000  }
0x3: {  	_ = 	snop  }
0x4: {  	_ = 	snop  }
0x5: {  	_ = 	snop  }
0x6: {  	_ = 	snop  }
0x7: {  	_ = 	snop  }
__scs_overlays_trampoline_lowered:
0x8: {  	[smem:$0x3FAD] =	sst s0  }
0x9: {  	[smem:$0x3FAE] =	sst s1  }
0xa: {  	[smem:$0x3FAF] =	sst s2  }
0xb: {  	[smem:$0x3FB0] =	sst s3  }
0xc: {  	[smem:$0x3FB1] =	sst s4  }
0xd: {  	[smem:$0x3FB2] =	sst s5  }
0xe: {  	[smem:$0x3FB3] =	sst s6  }
0xf: {  	[smem:$0x3FB4] =	sst s7  }
0x10: {  	[smem:$0x3FB5] =	sst s8  }
0x11: {  	[smem:$0x3FB6] =	sst s9;
	s0 =	simm.s32 @!p0 $0x0  }
0x12: {  	s1 =	sld [smem:$0x3F9C];
	s0 =	simm.s32 @p0 $0x1  }
0x13: {  	[smem:$0x3FB7] =	sst s0;
	s0 =	simm.s32 @!p1 $0x0  }
0x14: {  	s2 =	sld [smem:$0x3F9B];
	s0 =	simm.s32 @p1 $0x1  }
0x15: {  	[smem:$0x3FB8] =	sst s0;
	s0 =	simm.s32 @!p2 $0x0  }
0x16: {  	s3 =	sld [smem:$0x3FDB];
	s0 =	simm.s32 @p2 $0x1  }
0x17: {  	s4 =	simm.s32 $0x1BF5;
	[smem:$0x3FBA] =	sst s0  }
0x18: {  	s0 =	sld [smem:$0x3F9D];
	_ =	swait.ge [sflag:s4], $0x0  }
0x19: {  	s7 =	sld [smem:$0x3F9E]  }
0x1a: {  	s8 =	sadd.s32 $0xFFFFE003, lr  }
0x1b: {  	s9 =	sadd.s32 $0xFFFFFEF7, lr;
	s5 =	simm.s32 $0xFFFFFFFF;
	p2 =	slt.u32 s8, $0xFFFFF086  }
0x1c: {  	p1 =	slt.u32 s9, $0xF7A;
	s5 =	simm.s32 @!p2 $0x0  }
0x1d: {  	s5 =	simm.s32 @p1 $0x1;
	p0 =	seq.s32 s7, s2  }
0x1e: {  	s7 =	smul.u32 @!p0 $0xF7A, s2;
	p2 =	seq.s32 @!p0 s5, $0x0  }
0x1f: {  	s9 =	smul.u32 $0xF7A, s1;
	s8 =	simm.s32 @!p0 $0x1BF5;
	p2 =	por !p2, p0  }
0x20: {  	[sflag:s8] =	ssyncset.s32 @!p0 $0xFFFFF086;
	s6 =	sadd.s32 @!p0 s3, s7;
	s7 =	simm.s32 @!p0 $0x108  }
0x21: {  	s3 =	sadd.s32 s3, s9;
	s6 =	sadd.s32 @!p0 $0x88, s6;
	s7 =	simm.s32 @p2 $0x1082  }
0x22: {  	[simem:s7], [sflag:s8] =	dma.local @!p0 [hbm:s6], $0xF7A  }
0x23: {  	s9 =	sor.u32 $0xD0000000, s2;
	s6 =	simm.s32 $0x108;
	_ =	swait.ge @!p0 [sflag:s8], $0x0  }
0x24: {  	s3 =	sadd.s32 $0x88, s3;
	s6 =	simm.s32 @!p1 $0x1082;
	[sflag:s4] =	ssyncset.s32 $0xFFFFF086  }
0x25: {  	[simem:s6], [sflag:s4] =	dma.local [hbm:s3], $0xF7A  }
0x26: {  	[smem:$0x3F9E] =	sst s1;
	(tag) =	ssettag s2;
	_ =	strace s9  }
0x27: {  	s1 =	sld [smem:$0x3FAE]  }
0x28: {  	s2 =	sld [smem:$0x3FAF]  }
0x29: {  	s4 =	sld [smem:$0x3FB1]  }
0x2a: {  	p0 =	seq.s32 s5, $0x0;
	s5 =	sld [smem:$0x3FB2]  }
0x2b: {  	s6 =	sld [smem:$0x3FB3]  }
0x2c: {  	s7 =	sld [smem:$0x3FB4]  }
0x2d: {  	s3 =	simm.s32 $0x108;
	s8 =	sld [smem:$0x3FB5]  }
0x2e: {  	s3 =	simm.s32 @!p0 $0x1082;
	s9 =	sld [smem:$0x3FB6]  }
0x2f: {  	lr =	sadd.s32 s0, s3;
	s0 =	sld [smem:$0x3FAD]  }
0x30: {  	s3 =	sld [smem:$0x3FB0]  }
0x31: {  	[smem:$0x3FB9] =	sst s10  }
0x32: {  	s10 =	sld [smem:$0x3FB7];
	_ =	sdelay $0x3  }
0x33: {  	p0 =	seq.s32 s10, $0x1;
	s10 =	sld [smem:$0x3FB9];
	_ =	sdelay $0x3  }
0x34: {  	[smem:$0x3FB9] =	sst s10  }
0x35: {  	s10 =	sld [smem:$0x3FB8];
	_ =	sdelay $0x3  }
0x36: {  	p1 =	seq.s32 s10, $0x1;
	s10 =	sld [smem:$0x3FB9];
	_ =	sdelay $0x3  }
0x37: {  	[smem:$0x3FB9] =	sst s10  }
0x38: {  	s10 =	sld [smem:$0x3FBA]  }
0x39: {  	_ = 	snop;
	(pc) =	sbr.ind lr, $3  }
0x3a: {  	_ = 	snop  }
0x3b: {  	_ = 	snop  }
0x3c: {  	p2 =	seq.s32 s10, $0x1;
	s10 =	sld [smem:$0x3FB9]  }
0x3d: {  	_ =	shalt  }
0x3e: {  	_ =	shalt  }
0x3f: {  	_ =	shalt  }
0x40: {  	_ =	shalt  }
0x41: {  	_ =	shalt  }
0x42: {  	_ =	shalt  }
0x43: {  	_ =	shalt  }
0x44: {  	_ =	shalt  }
0x45: {  	_ =	shalt  }
0x46: {  	_ =	shalt  }
0x47: {  	_ =	shalt  }
0x48: {  	_ =	shalt  }
0x49: {  	_ =	shalt  }
0x4a: {  	_ =	shalt  }
0x4b: {  	_ =	shalt  }
0x4c: {  	_ =	shalt  }
0x4d: {  	_ =	shalt  }
0x4e: {  	_ =	shalt  }
0x4f: {  	_ =	shalt  }
0x50: {  	_ =	shalt  }
0x51: {  	_ =	shalt  }
0x52: {  	_ =	shalt  }
0x53: {  	_ =	shalt  }
0x54: {  	_ =	shalt  }
0x55: {  	_ =	shalt  }
0x56: {  	_ =	shalt  }
0x57: {  	_ =	shalt  }
0x58: {  	_ =	shalt  }
0x59: {  	_ =	shalt  }
0x5a: {  	_ =	shalt  }
0x5b: {  	_ =	shalt  }
0x5c: {  	_ =	shalt  }
0x5d: {  	_ =	shalt  }
0x5e: {  	_ =	shalt  }
0x5f: {  	_ =	shalt  }
0x60: {  	_ =	shalt  }
0x61: {  	_ =	shalt  }
0x62: {  	_ =	shalt  }
0x63: {  	_ =	shalt  }
0x64: {  	_ =	shalt  }
0x65: {  	_ =	shalt  }
0x66: {  	_ =	shalt  }
0x67: {  	_ =	shalt  }
0x68: {  	_ =	shalt  }
0x69: {  	_ =	shalt  }
0x6a: {  	_ =	shalt  }
0x6b: {  	_ =	shalt  }
0x6c: {  	_ =	shalt  }
0x6d: {  	_ =	shalt  }
0x6e: {  	_ =	shalt  }
0x6f: {  	_ =	shalt  }
0x70: {  	_ =	shalt  }
0x71: {  	_ =	shalt  }
0x72: {  	_ =	shalt  }
0x73: {  	_ =	shalt  }
0x74: {  	_ =	shalt  }
0x75: {  	_ =	shalt  }
0x76: {  	_ =	shalt  }
0x77: {  	_ =	shalt  }
0x78: {  	_ =	shalt  }
0x79: {  	_ =	shalt  }
0x7a: {  	_ =	shalt  }
0x7b: {  	_ =	shalt  }
0x7c: {  	_ =	shalt  }
0x7d: {  	_ =	shalt  }
0x7e: {  	_ =	shalt  }
0x7f: {  	_ =	shalt  }
0x80: {  	_ =	shalt  }
0x81: {  	_ =	shalt  }
0x82: {  	_ =	shalt  }
0x83: {  	_ =	shalt  }
0x84: {  	_ =	shalt  }
0x85: {  	_ =	shalt  }
0x86: {  	_ =	shalt  }
0x87: {  	_ =	shalt  }
.Lfunc_end0:
.L_simem_size_0:
called_computation_lowered:
.L_overlay_start_0:
0x88: {  	s0 =	sld [smem:$0x3FD9]  }
0x89: {  	s1 =	sld [smem:$0x3FFE];
	_ =	sdelay $0x3  }
0x8a: {  	s0 =	sadd.s32 s1, s0  }
0x8b: {  	[smem:$0x3FC5] =	sst s0  }
0x8c: {  	_ = 	snop  }
0x8d: {  	s0 =	sld [smem:$0x3FC7]  }
0x8e: {  	s16 =	sld [smem:$0x3FD0];
	(tm) =	ssettm $0x1  }
0x8f: {  	s2 =	sld [smem:$0x3FFB];
	_ =	sdelay $0x3  }
0x90: {  	_ =	strace s2  }
0x91: {  	s2 =	sld [smem:$0x3FFC];
	_ =	sdelay $0x3  }
0x92: {  	_ =	strace s2  }
0x93: {  	s2 =	sld [smem:$0x3FFD];
	_ =	sdelay $0x3  }
0x94: {  	_ =	strace s2  }
0x95: {  	_ =	strace $0x8FFFFFFF  }
0x96: {  	s17 =	sld [smem:$0x3FDB];
	_ =	sdelay $0x1  }
0x97: {  	s3 =	simm.s32 $_scs_section_size  }
0x98: {  	s4 =	simm.s32 $_size__tile_overlayer_lowered;
	s5 =	simm.s32 $_tile_overlayer_lowered  }
0x99: {  	s20 =	simm.s32 $0x1BFF;
	s19 =	sshll.u32 s5, $0x1;
	s2 =	sadd.s32 s3, s17  }
0x9a: {  	s6 =	simm.s32 $0x0;
	s18 =	sshll.u32 s4, $0x1;
	s4 =	sadd.s32 s19, s2  }
0x9b: {  	[timem:s6], [sflag:s20] =	dma.local [hbm:s4], s18  }
0x9c: {  	_ =	swait.ge [sflag:s20], s18  }
0x9d: {  	s3 =	ssub.s32 $0x0, s18;
	[sflag:s20] =	ssyncset.done $0x0  }
0x9e: {  	[sflag:s20] =	ssyncadd.s32 s3;
	_ =	sdelay $0x1  }
0x9f: {  	s21 =	simm.s32 $0x1B8B  }
0xa0: {  	_ =	swait.ge [sflag:s21], $0x1  }
0xa1: {  	[sflag:s21] =	ssyncset.done $0x0  }
0xa2: {  	s23 =	simm.s32 $0x1B8E;
	s22 =	sld [smem:$0x3FFE];
	[sflag:s21] =	ssyncadd.s32 $0xFFFFFFFF  }
0xa3: {  	s24 =	simm.s32 $execute0_lowered;
	[smem:$0x3FD2] =	sst s23  }
0xa4: {  	s4 =	sshll.u32 s24, $0x1;
	_ =	strace $0x80000046;
	[dreg:$0x1] =	wrdreg $0xFFFFFFFF  }
0xa5: {  	s25 =	simm.s32 $_size_execute0_lowered;
	s2 =	sadd.s32 s2, s4;
	[dreg:$0x0] =	wrdreg $0x0  }
0xa6: {  	s4 =	sshll.u32 s25, $0x1;
	[dreg:$0x2] =	wrdreg s2  }
0xa7: {  	[dreg:$0x3] =	wrdreg s4  }
0xa8: {  	[dreg:$0x4] =	wrdreg $0xC0  }
0xa9: {  	_ =	task [dreg:s6], $0x5FFFF  }
0xaa: {  	[dreg:$0x1] =	wrdreg $0xFFFFFFFF  }
0xab: {  	[dreg:$0x0] =	wrdreg $0x60  }
0xac: {  	[dreg:$0x2] =	wrdreg s22  }
0xad: {  	[dreg:$0x3] =	wrdreg s0  }
0xae: {  	[dreg:$0x4] =	wrdreg s16  }
0xaf: {  	[dreg:$0x5] =	wrdreg $0x8800  }
0xb0: {  	[dreg:$0x6] =	wrdreg $0x8A00  }
0xb1: {  	[dreg:$0x7] =	wrdreg $0x9  }
0xb2: {  	_ =	task.clear_ibuf [dreg:s6], $0x8FFFF;
	_ =	strace $0x90000046  }
0xb3: {  	s26 =	simm.s32 $0x9;
	_ =	strace $0x80000048  }
0xb4: {  	_ =	swait.ge [sflag:s26], $0x1  }
0xb5: {  	[sflag:s26] =	ssyncadd.s32 $0xFFFFFFFF  }
0xb6: {  	_ =	strace $0x90000048  }
0xb7: {  	_ =	sfence  }
0xb8: {  	s28 =	sld [smem:$0x0];
	_ =	sdelay $0x1  }
0xb9: {  	s29 =	srdreg.scid  }
0xba: {  	s30 =	sshll.u32 s29, $0xD;
	s31 =	sshrl.u32 s29, $0x2  }
0xbb: {  	s1 =	sand.u32 $0x1, s29;
	s2 =	sand.u32 $0x4000, s30;
	s0 =	sadd.s32 s31, s28  }
0xbc: {  	s1 =	sor.u32 s2, s1;
	s0 =	sshll.u32 s0, $0x11  }
0xbd: {  	s0 =	sor.u32 s0, s1  }
0xbe: {  	s0 =	sadd.s32 $0x8F2B, s0  }
0xbf: {  	[sflag:s0] =	ssyncadd.remote.s32 $0x1  }
0xc0: {  	_ =	sfence.sel $0xFFFF  }
0xc1: {  	[dreg:$0x0] =	wrdreg $0xFFFFFFFF;
	(pc) =	sbr.abs _section_cstart, $3  }
0xc2: {  	[dreg:$0x1] =	wrdreg $0xFFFFFFFF  }
0xc3: {  	_ =	task.clear_ibuf [dreg:s6], $0x2FFFF;
	_ =	strace $0x9FFFFFFF  }
0xc4: {  	(tm) =	ssettm $0x7FFFFFFF  }
0xc5: {  	_ =	shalt  }
tec
execute0_lowered:
.L_overlay_start_1:
0x0: {  	(tag) =	ssettag $0x1  }
0x1: {  	s6 =	rddreg [dreg:$0x0]  }
0x2: {  	s3 =	rddreg [dreg:$0x1]  }
0x3: {  	s1 =	rddreg [dreg:$0x2]  }
0x4: {  	s5 =	rddreg [dreg:$0x3]  }
0x5: {  	s4 =	rddreg [dreg:$0x4];
	s2 =	simm.s32 $0x0  }
0x6: {  	v0 =	vimm.f32 $1.000000000e+00;
	[smem:$0x7FF] =	sst s2  }
0x7: {  	s0 =	rddreg [dreg:$0x5];
	_ =	strace $0x80000047;
	[tilespmem:$0x800] =	vst v0  }
0x8: {  	[tilespmem:$0x810] =	vst v0  }
0x9: {  	[tilespmem:$0x820] =	vst v0  }
0xa: {  	[tilespmem:$0x830] =	vst v0  }
0xb: {  	[tilespmem:$0x840] =	vst v0  }
0xc: {  	s7 =	stileid.u32;
	[tilespmem:$0x850] =	vst v0  }
0xd: {  	p0 =	sne.s32 s7, $0x0;
	[tilespmem:$0x860] =	vst v0  }
0xe: {  	[tilespmem:$0x870] =	vst v0;
	v0 =	vimm.f32 @!p0 $0.0e+00  }
0xf: {  	[tilespmem:$0xCC0] =	vst @!p0 v0  }
0x10: {  	[tilespmem:$0xCD0] =	vst @!p0 v0  }
0x11: {  	[tilespmem:$0xCE0] =	vst @!p0 v0  }
0x12: {  	[tilespmem:$0xCF0] =	vst @!p0 v0  }
0x13: {  	[tilespmem:$0xD00] =	vst @!p0 v0  }
0x14: {  	[tilespmem:$0xD10] =	vst @!p0 v0  }
0x15: {  	[tilespmem:$0xD20] =	vst @!p0 v0  }
0x16: {  	[tilespmem:$0xD30] =	vst @!p0 v0  }
0x17: {  	[tilespmem:$0xD40] =	vst @!p0 v0  }
0x18: {  	[tilespmem:$0xD50] =	vst @!p0 v0  }
0x19: {  	[tilespmem:$0xD60] =	vst @!p0 v0  }
0x1a: {  	[tilespmem:$0xD70] =	vst @!p0 v0  }
0x1b: {  	[tilespmem:$0xD80] =	vst @!p0 v0  }
0x1c: {  	[tilespmem:$0xD90] =	vst @!p0 v0  }
0x1d: {  	[tilespmem:$0xDA0] =	vst @!p0 v0  }
0x1e: {  	[tilespmem:$0xDB0] =	vst @!p0 v0  }
0x1f: {  	[tilespmem:$0xDC0] =	vst @!p0 v0  }
0x20: {  	[tilespmem:$0xDD0] =	vst @!p0 v0  }
0x21: {  	[tilespmem:$0xDE0] =	vst @!p0 v0  }
0x22: {  	[tilespmem:$0xDF0] =	vst @!p0 v0  }
0x23: {  	[tilespmem:$0xE00] =	vst @!p0 v0  }
0x24: {  	[tilespmem:$0xE10] =	vst @!p0 v0  }
0x25: {  	[tilespmem:$0xE20] =	vst @!p0 v0  }
0x26: {  	[tilespmem:$0xE30] =	vst @!p0 v0  }
0x27: {  	[tilespmem:$0xE40] =	vst @!p0 v0  }
0x28: {  	[tilespmem:$0xE50] =	vst @!p0 v0  }
0x29: {  	[tilespmem:$0xE60] =	vst @!p0 v0  }
0x2a: {  	[tilespmem:$0xE70] =	vst @!p0 v0  }
0x2b: {  	[tilespmem:$0xE80] =	vst @!p0 v0  }
0x2c: {  	[tilespmem:$0xE90] =	vst @!p0 v0  }
0x2d: {  	[tilespmem:$0xEA0] =	vst @!p0 v0  }
0x2e: {  	s8 =	simm.s32 @!p0 $0xCC0;
	s9 =	simm.s32 @!p0 $0x1;
	[tilespmem:$0xEB0] =	vst @!p0 v0  }
0x2f: {  	[spmem:s5] =	stream.linear.scatter @!p0 [tilespmem:s8], [sflag:$0x1], $0x200, $0x38;
	[tilespmem:$0xEC0] =	vst v63  }
0x30: {  	_ =	swait.ge @!p0 [sflag:s9], $0x200  }
0x31: {  	[sflag:s9] =	ssyncset.done @!p0 $0x0  }
0x32: {  	[sflag:s9] =	ssyncadd.s32 @!p0 $0xFFFFFE00  }
0x33: {  	[spmem:s4] =	stream.linear.scatter @!p0 [tilespmem:s8], [sflag:$0x1], $0x200, $0x38;
	[tilespmem:$0xEC0] =	vst v63  }
0x34: {  	_ =	swait.ge @!p0 [sflag:s9], $0x200  }
0x35: {  	s7 =	sshll.u32 s7, $0x7;
	[sflag:s9] =	ssyncset.done @!p0 $0x0  }
0x36: {  	s3 =	sadd.s32 s3, s7;
	[sflag:s9] =	ssyncadd.s32 @!p0 $0xFFFFFE00  }
0x37: {  	[tilespmem:s2], [sflag:$0x1] =	stream.linear.gather [hbm4b:s3+s2], $0x400, $0x38;
	[tilespmem:$0xEC0] =	vst v63  }
0x38: {  	s3 =	simm.s32 $0x1  }
0x39: {  	_ =	swait.ge [sflag:s3], $0x400  }
0x3a: {  	[sflag:s3] =	ssyncset.done $0x0  }
0x3b: {  	s15 =	simm.s32 $0x400;
	s6 =	sadd.s32 s6, s7;
	[sflag:s3] =	ssyncadd.s32 $0xFFFFFC00  }
0x3c: {  	[tilespmem:s15], [sflag:$0x1] =	stream.linear.gather [hbm4b:s6+s2], $0x400, $0x38;
	[tilespmem:$0xEC0] =	vst v63  }
0x3d: {  	_ =	swait.ge [sflag:s3], $0x400  }
0x3e: {  	[sflag:s3] =	ssyncset.done $0x0  }
0x3f: {  	[sflag:s3] =	ssyncadd.s32 $0xFFFFFC00  }
0x40: {  	s16 =	simm.s32 $0x80;
	[bflag:$0x0] =	sbarrier.arrive $0xFFFF  }
0x41: {  	[spmem:s5] =	stream.indirect.scatter.add.f32 [tilespmem:s15], [sflag:$0x1], $0x1, s2, s16, $0xb8;
	[tilespmem:$0xEC0] =	vst v63  }
0x42: {  	_ =	swait.ge [sflag:s3], $0x80  }
0x43: {  	[sflag:s3] =	ssyncset.done $0x0  }
0x44: {  	s17 =	simm.s32 $0x800;
	[sflag:s3] =	ssyncadd.s32 $0xFFFFFF80  }
0x45: {  	[spmem:s4] =	stream.indirect.scatter.add.f32 [tilespmem:s17], [sflag:$0x1], $0x1, s2, s16, $0xb8;
	[tilespmem:$0xEC0] =	vst v63  }
0x46: {  	_ =	swait.ge [sflag:s3], $0x80  }
0x47: {  	[sflag:s3] =	ssyncset.done $0x0  }
0x48: {  	s18 =	simm.s32 $0x480;
	[sflag:s3] =	ssyncadd.s32 $0xFFFFFF80  }
0x49: {  	[spmem:s5] =	stream.indirect.scatter.add.f32 [tilespmem:s18], [sflag:$0x1], $0x1, s16, s16, $0xb8;
	[tilespmem:$0xEC0] =	vst v63  }
0x4a: {  	_ =	swait.ge [sflag:s3], $0x80  }
0x4b: {  	[sflag:s3] =	ssyncset.done $0x0  }
0x4c: {  	[sflag:s3] =	ssyncadd.s32 $0xFFFFFF80  }
0x4d: {  	[spmem:s4] =	stream.indirect.scatter.add.f32 [tilespmem:s17], [sflag:$0x1], $0x1, s16, s16, $0xb8;
	[tilespmem:$0xEC0] =	vst v63  }
0x4e: {  	_ =	swait.ge [sflag:s3], $0x80  }
0x4f: {  	[sflag:s3] =	ssyncset.done $0x0  }
0x50: {  	s19 =	simm.s32 $0x100;
	s20 =	simm.s32 $0x500;
	[sflag:s3] =	ssyncadd.s32 $0xFFFFFF80  }
0x51: {  	[spmem:s5] =	stream.indirect.scatter.add.f32 [tilespmem:s20], [sflag:$0x1], $0x1, s19, s16, $0xb8;
	[tilespmem:$0xEC0] =	vst v63  }
0x52: {  	_ =	swait.ge [sflag:s3], $0x80  }
0x53: {  	[sflag:s3] =	ssyncset.done $0x0  }
0x54: {  	[sflag:s3] =	ssyncadd.s32 $0xFFFFFF80  }
0x55: {  	[spmem:s4] =	stream.indirect.scatter.add.f32 [tilespmem:s17], [sflag:$0x1], $0x1, s19, s16, $0xb8;
	[tilespmem:$0xEC0] =	vst v63  }
0x56: {  	_ =	swait.ge [sflag:s3], $0x80  }
0x57: {  	[sflag:s3] =	ssyncset.done $0x0  }
0x58: {  	s21 =	simm.s32 $0x180;
	s22 =	simm.s32 $0x580;
	[sflag:s3] =	ssyncadd.s32 $0xFFFFFF80  }
0x59: {  	[spmem:s5] =	stream.indirect.scatter.add.f32 [tilespmem:s22], [sflag:$0x1], $0x1, s21, s16, $0xb8;
	[tilespmem:$0xEC0] =	vst v63  }
0x5a: {  	_ =	swait.ge [sflag:s3], $0x80  }
0x5b: {  	[sflag:s3] =	ssyncset.done $0x0  }
0x5c: {  	[sflag:s3] =	ssyncadd.s32 $0xFFFFFF80  }
0x5d: {  	[spmem:s4] =	stream.indirect.scatter.add.f32 [tilespmem:s17], [sflag:$0x1], $0x1, s21, s16, $0xb8;
	[tilespmem:$0xEC0] =	vst v63  }
0x5e: {  	_ =	swait.ge [sflag:s3], $0x80  }
0x5f: {  	[sflag:s3] =	ssyncset.done $0x0  }
0x60: {  	s23 =	simm.s32 $0x200;
	s24 =	simm.s32 $0x600;
	[sflag:s3] =	ssyncadd.s32 $0xFFFFFF80  }
0x61: {  	[spmem:s5] =	stream.indirect.scatter.add.f32 [tilespmem:s24], [sflag:$0x1], $0x1, s23, s16, $0xb8;
	[tilespmem:$0xEC0] =	vst v63  }
0x62: {  	_ =	swait.ge [sflag:s3], $0x80  }
0x63: {  	[sflag:s3] =	ssyncset.done $0x0  }
0x64: {  	[sflag:s3] =	ssyncadd.s32 $0xFFFFFF80  }
0x65: {  	[spmem:s4] =	stream.indirect.scatter.add.f32 [tilespmem:s17], [sflag:$0x1], $0x1, s23, s16, $0xb8;
	[tilespmem:$0xEC0] =	vst v63  }
0x66: {  	_ =	swait.ge [sflag:s3], $0x80  }
0x67: {  	[sflag:s3] =	ssyncset.done $0x0  }
0x68: {  	s25 =	simm.s32 $0x280;
	s26 =	simm.s32 $0x680;
	[sflag:s3] =	ssyncadd.s32 $0xFFFFFF80  }
0x69: {  	[spmem:s5] =	stream.indirect.scatter.add.f32 [tilespmem:s26], [sflag:$0x1], $0x1, s25, s16, $0xb8;
	[tilespmem:$0xEC0] =	vst v63  }
0x6a: {  	_ =	swait.ge [sflag:s3], $0x80  }
0x6b: {  	[sflag:s3] =	ssyncset.done $0x0  }
0x6c: {  	[sflag:s3] =	ssyncadd.s32 $0xFFFFFF80  }
0x6d: {  	[spmem:s4] =	stream.indirect.scatter.add.f32 [tilespmem:s17], [sflag:$0x1], $0x1, s25, s16, $0xb8;
	[tilespmem:$0xEC0] =	vst v63  }
0x6e: {  	_ =	swait.ge [sflag:s3], $0x80  }
0x6f: {  	[sflag:s3] =	ssyncset.done $0x0  }
0x70: {  	s28 =	simm.s32 $0x300;
	s29 =	simm.s32 $0x700;
	[sflag:s3] =	ssyncadd.s32 $0xFFFFFF80  }
0x71: {  	[spmem:s5] =	stream.indirect.scatter.add.f32 [tilespmem:s29], [sflag:$0x1], $0x1, s28, s16, $0xb8;
	[tilespmem:$0xEC0] =	vst v63  }
0x72: {  	_ =	swait.ge [sflag:s3], $0x80  }
0x73: {  	[sflag:s3] =	ssyncset.done $0x0  }
0x74: {  	[sflag:s3] =	ssyncadd.s32 $0xFFFFFF80  }
0x75: {  	[spmem:s4] =	stream.indirect.scatter.add.f32 [tilespmem:s17], [sflag:$0x1], $0x1, s28, s16, $0xb8;
	[tilespmem:$0xEC0] =	vst v63  }
0x76: {  	_ =	swait.ge [sflag:s3], $0x80  }
0x77: {  	[sflag:s3] =	ssyncset.done $0x0  }
0x78: {  	s30 =	simm.s32 $0x380;
	s31 =	simm.s32 $0x780;
	[sflag:s3] =	ssyncadd.s32 $0xFFFFFF80  }
0x79: {  	[spmem:s5] =	stream.indirect.scatter.add.f32 [tilespmem:s31], [sflag:$0x1], $0x1, s30, s16, $0xb8;
	[tilespmem:$0xEC0] =	vst v63  }
0x7a: {  	_ =	swait.ge [sflag:s3], $0x80  }
0x7b: {  	[sflag:s3] =	ssyncset.done $0x0  }
0x7c: {  	[sflag:s3] =	ssyncadd.s32 $0xFFFFFF80  }
0x7d: {  	[spmem:s4] =	stream.indirect.scatter.add.f32 [tilespmem:s17], [sflag:$0x1], $0x1, s30, s16, $0xb8;
	[tilespmem:$0xEC0] =	vst v63  }
0x7e: {  	_ =	swait.ge [sflag:s3], $0x80  }
0x7f: {  	[sflag:s3] =	ssyncset.done $0x0  }
0x80: {  	[sflag:s3] =	ssyncadd.s32 $0xFFFFFF80  }
0x81: {  	[bflag:$0x0] =	sbarrier.arrive $0xFFFF  }
0x82: {  	_ =	sfence.sel @p0 $0x180000  }
0x83: {  	[bflag:$0x0] =	sbarrier.arrive @p0 $0xFFFF  }
0x84: {  	_ =	strace @p0 $0x90000047  }
0x85: {  	[bflag:$0x2] =	sbarrier.arrive @p0 $0xFFFF  }
0x86: {  	_ =	shalt @p0  }
.LBB2_1:
0x87: {  	s6 =	simm.s32 $0x8C0  }
0x88: {  	[tilespmem:s6], [sflag:$0x1] =	stream.linear.gather [spmem:s5], $0x200, $0x38;
	[tilespmem:$0xEC0] =	vst v63  }
0x89: {  	_ =	swait.ge [sflag:s3], $0x200  }
0x8a: {  	[sflag:s3] =	ssyncset.done $0x0  }
0x8b: {  	s30 =	simm.s32 $0xAC0;
	[sflag:s3] =	ssyncadd.s32 $0xFFFFFE00  }
0x8c: {  	[tilespmem:s30], [sflag:$0x1] =	stream.linear.gather [spmem:s4], $0x200, $0x38;
	[tilespmem:$0xEC0] =	vst v63  }
0x8d: {  	_ =	swait.ge [sflag:s3], $0x200  }
0x8e: {  	[sflag:s3] =	ssyncset.done $0x0  }
0x8f: {  	[sflag:s3] =	ssyncadd.s32 $0xFFFFFE00  }
0x90: {  	v0 =	vld [tilespmem:$0x8C0]  }
0x91: {  	v1 =	vld [tilespmem:$0xAC0]  }
0x92: {  	v2 =	vld [tilespmem:$0x8D0]  }
0x93: {  	v3 =	vld [tilespmem:$0xAD0]  }
0x94: {  	v4 =	vld [tilespmem:$0x8E0]  }
0x95: {  	v5 =	vld [tilespmem:$0xAE0]  }
0x96: {  	v6 =	vld [tilespmem:$0x8F0]  }
0x97: {  	v7 =	vld [tilespmem:$0xAF0]  }
0x98: {  	v8 =	vld [tilespmem:$0x900]  }
0x99: {  	v9 =	vld [tilespmem:$0xB00]  }
0x9a: {  	v10 =	vld [tilespmem:$0x910]  }
0x9b: {  	v11 =	vld [tilespmem:$0xB10]  }
0x9c: {  	v12 =	vld [tilespmem:$0x920]  }
0x9d: {  	v13 =	vld [tilespmem:$0xB20]  }
0x9e: {  	v14 =	vld [tilespmem:$0x930]  }
0x9f: {  	v15 =	vld [tilespmem:$0xB30]  }
0xa0: {  	v16 =	vld [tilespmem:$0x940]  }
0xa1: {  	v17 =	vld [tilespmem:$0xB40]  }
0xa2: {  	v18 =	vld [tilespmem:$0x950]  }
0xa3: {  	v19 =	vld [tilespmem:$0xB50]  }
0xa4: {  	v20 =	vld [tilespmem:$0x960]  }
0xa5: {  	v21 =	vld [tilespmem:$0xB60]  }
0xa6: {  	v22 =	vld [tilespmem:$0x970]  }
0xa7: {  	v23 =	vld [tilespmem:$0xB70]  }
0xa8: {  	v24 =	vld [tilespmem:$0x980]  }
0xa9: {  	v25 =	vld [tilespmem:$0xB80]  }
0xaa: {  	v26 =	vld [tilespmem:$0x990];
	v1 =	vmax.f32 v1, $1.000000000e+00  }
0xab: {  	v32 =	vld [tilespmem:$0xB90];
	v31 =	vmax.f32 v3, $1.000000000e+00;
	(erf) = vrcp.f32 v1  }
0xac: {  	v35 =	vld [tilespmem:$0xBA0];
	v33 =	vmax.f32 v5, $1.000000000e+00;
	(erf) = vrcp.f32 v31  }
0xad: {  	v38 =	vld [tilespmem:$0xBB0];
	v34 =	vmax.f32 v7, $1.000000000e+00;
	(erf) = vrcp.f32 v33  }
0xae: {  	v41 =	vld [tilespmem:$0xBC0];
	v36 =	vmax.f32 v9, $1.000000000e+00;
	(erf) = vrcp.f32 v34  }
0xaf: {  	v44 =	vld [tilespmem:$0xBD0];
	v37 =	vmax.f32 v11, $1.000000000e+00;
	(erf) = vrcp.f32 v36  }
0xb0: {  	v48 =	vld [tilespmem:$0xBE0];
	v39 =	vmax.f32 v13, $1.000000000e+00;
	(erf) = vrcp.f32 v37  }
0xb1: {  	v54 =	vld [tilespmem:$0xBF0];
	v40 =	vmax.f32 v15, $1.000000000e+00;
	(erf) = vrcp.f32 v39  }
0xb2: {  	v61 =	vld [tilespmem:$0xC00];
	v42 =	vmax.f32 v17, $1.000000000e+00;
	(erf) = vrcp.f32 v40  }
0xb3: {  	v5 =	vld [tilespmem:$0x9A0];
	v43 =	vmax.f32 v19, $1.000000000e+00;
	(erf) = vrcp.f32 v42  }
0xb4: {  	v9 =	vld [tilespmem:$0x9B0];
	v45 =	vmax.f32 v21, $1.000000000e+00;
	v27 =	vpop (erf);
	(erf) = vrcp.f32 v43  }
0xb5: {  	v13 =	vld [tilespmem:$0x9C0];
	v47 =	vmax.f32 v23, $1.000000000e+00;
	v0 =	vmul.f32 v27, v0;
	v46 =	vpop (erf);
	(erf) = vrcp.f32 v45  }
0xb6: {  	v17 =	vld [tilespmem:$0x9D0];
	v50 =	vmax.f32 v25, $1.000000000e+00;
	v2 =	vmul.f32 v46, v2;
	v49 =	vpop (erf);
	(erf) = vrcp.f32 v47  }
0xb7: {  	v21 =	vld [tilespmem:$0x9E0];
	v53 =	vmax.f32 v32, $1.000000000e+00;
	[tilespmem:$0xCC0] =	vst v0;
	v51 =	vmul.f32 v49, v4;
	v52 =	vpop (erf);
	(erf) = vrcp.f32 v50  }
0xb8: {  	v25 =	vld [tilespmem:$0x9F0];
	v57 =	vmax.f32 v35, $1.000000000e+00;
	[tilespmem:$0xCD0] =	vst v2;
	v55 =	vmul.f32 v52, v6;
	v56 =	vpop (erf);
	(erf) = vrcp.f32 v53  }
0xb9: {  	v60 =	vmax.f32 v38, $1.000000000e+00;
	v35 =	vld [tilespmem:$0xC30];
	[tilespmem:$0xCE0] =	vst v51;
	v58 =	vmul.f32 v56, v8;
	v59 =	vpop (erf);
	(erf) = vrcp.f32 v57  }
0xba: {  	v15 =	vmax.f32 v41, $1.000000000e+00;
	v27 =	vld [tilespmem:$0xC10];
	[tilespmem:$0xCF0] =	vst v55;
	v62 =	vmul.f32 v59, v10;
	v63 =	vpop (erf);
	(erf) = vrcp.f32 v60  }
0xbb: {  	v30 =	vmax.f32 v44, $1.000000000e+00;
	v31 =	vld [tilespmem:$0xC20];
	[tilespmem:$0xD00] =	vst v58;
	v28 =	vmul.f32 v63, v12;
	v29 =	vpop (erf);
	(erf) = vrcp.f32 v15  }
0xbc: {  	v34 =	vmax.f32 v48, $1.000000000e+00;
	v39 =	vld [tilespmem:$0xC40];
	[tilespmem:$0xD10] =	vst v62;
	v32 =	vmul.f32 v29, v14;
	v33 =	vpop (erf);
	(erf) = vrcp.f32 v30  }
0xbd: {  	v38 =	vmax.f32 v54, $1.000000000e+00;
	v43 =	vld [tilespmem:$0xC50];
	[tilespmem:$0xD20] =	vst v28;
	v36 =	vmul.f32 v33, v16;
	v37 =	vpop (erf);
	(erf) = vrcp.f32 v34  }
0xbe: {  	v42 =	vmax.f32 v61, $1.000000000e+00;
	v47 =	vld [tilespmem:$0xC60];
	[tilespmem:$0xD30] =	vst v32;
	v40 =	vmul.f32 v37, v18;
	v41 =	vpop (erf);
	(erf) = vrcp.f32 v38  }
0xbf: {  	v6 =	vld [tilespmem:$0xA00];
	v46 =	vmax.f32 v27, $1.000000000e+00;
	[tilespmem:$0xD40] =	vst v36;
	v44 =	vmul.f32 v41, v20;
	v45 =	vpop (erf);
	(erf) = vrcp.f32 v42  }
0xc0: {  	v50 =	vmax.f32 v31, $1.000000000e+00;
	v51 =	vld [tilespmem:$0xC70];
	[tilespmem:$0xD50] =	vst v40;
	v48 =	vmul.f32 v45, v22;
	v49 =	vpop (erf);
	(erf) = vrcp.f32 v46  }
0xc1: {  	v54 =	vmax.f32 v35, $1.000000000e+00;
	v55 =	vld [tilespmem:$0xC80];
	[tilespmem:$0xD60] =	vst v44;
	v52 =	vmul.f32 v49, v24;
	v53 =	vpop (erf);
	(erf) = vrcp.f32 v50  }
0xc2: {  	v59 =	vld [tilespmem:$0xC90];
	v58 =	vmax.f32 v39, $1.000000000e+00;
	[tilespmem:$0xD70] =	vst v48;
	v56 =	vmul.f32 v53, v26;
	v57 =	vpop (erf);
	(erf) = vrcp.f32 v54  }
0xc3: {  	v63 =	vld [tilespmem:$0xCA0];
	v62 =	vmax.f32 v43, $1.000000000e+00;
	[tilespmem:$0xD80] =	vst v52;
	v60 =	vmul.f32 v57, v5;
	v61 =	vpop (erf);
	(erf) = vrcp.f32 v58  }
0xc4: {  	v15 =	vmax.f32 v47, $1.000000000e+00;
	v16 =	vld [tilespmem:$0xCB0];
	[tilespmem:$0xD90] =	vst v56;
	v12 =	vmul.f32 v61, v9;
	v14 =	vpop (erf);
	(erf) = vrcp.f32 v62  }
0xc5: {  	v20 =	vld [tilespmem:$0xA10];
	v22 =	vmax.f32 v51, $1.000000000e+00;
	[tilespmem:$0xDA0] =	vst v60;
	v18 =	vmul.f32 v14, v13;
	v19 =	vpop (erf);
	(erf) = vrcp.f32 v15  }
0xc6: {  	v27 =	vmax.f32 v55, $1.000000000e+00;
	v26 =	vld [tilespmem:$0xA20];
	[tilespmem:$0xDB0] =	vst v12;
	v23 =	vmul.f32 v19, v17;
	v24 =	vpop (erf);
	(erf) = vrcp.f32 v22  }
0xc7: {  	v30 =	vld [tilespmem:$0xA30];
	v3 =	vmax.f32 v59, $1.000000000e+00;
	[tilespmem:$0xDC0] =	vst v18;
	v28 =	vmul.f32 v24, v21;
	v29 =	vpop (erf);
	(erf) = vrcp.f32 v27  }
0xc8: {  	v33 =	vld [tilespmem:$0xA40];
	v5 =	vmax.f32 v63, $1.000000000e+00;
	[tilespmem:$0xDD0] =	vst v23;
	v31 =	vmul.f32 v29, v25;
	v32 =	vpop (erf);
	(erf) = vrcp.f32 v3  }
0xc9: {  	v36 =	vld [tilespmem:$0xA50];
	v37 =	vmax.f32 v16, $1.000000000e+00;
	[tilespmem:$0xDE0] =	vst v28;
	v34 =	vmul.f32 v32, v6;
	v35 =	vpop (erf);
	(erf) = vrcp.f32 v5  }
0xca: {  	v39 =	vld [tilespmem:$0xA60];
	[tilespmem:$0xDF0] =	vst v31;
	v1 =	vmul.f32 v35, v20;
	v38 =	vpop (erf);
	(erf) = vrcp.f32 v37  }
0xcb: {  	v42 =	vld [tilespmem:$0xA70];
	v40 =	vpop (erf);
	[tilespmem:$0xE00] =	vst v34;
	v41 =	vmul.f32 v38, v26  }
0xcc: {  	v45 =	vld [tilespmem:$0xA80];
	v43 =	vpop (erf);
	[tilespmem:$0xE10] =	vst v1;
	v44 =	vmul.f32 v40, v30  }
0xcd: {  	v48 =	vld [tilespmem:$0xA90];
	v46 =	vpop (erf);
	[tilespmem:$0xE20] =	vst v41;
	v47 =	vmul.f32 v43, v33  }
0xce: {  	v51 =	vld [tilespmem:$0xAA0];
	v49 =	vpop (erf);
	[tilespmem:$0xE30] =	vst v44;
	v50 =	vmul.f32 v46, v36  }
0xcf: {  	v54 =	vld [tilespmem:$0xAB0];
	v52 =	vpop (erf);
	[tilespmem:$0xE40] =	vst v47;
	v53 =	vmul.f32 v49, v39  }
0xd0: {  	v55 =	vpop (erf);
	[tilespmem:$0xE50] =	vst v50;
	v56 =	vmul.f32 v52, v42  }
0xd1: {  	v57 =	vpop (erf);
	[tilespmem:$0xE60] =	vst v53;
	v58 =	vmul.f32 v55, v45  }
0xd2: {  	v59 =	vpop (erf);
	[tilespmem:$0xE70] =	vst v56;
	v60 =	vmul.f32 v57, v48  }
0xd3: {  	[tilespmem:$0xE80] =	vst v58;
	v61 =	vmul.f32 v59, v51;
	v62 =	vpop (erf)  }
0xd4: {  	[tilespmem:$0xE90] =	vst v60;
	v63 =	vmul.f32 v62, v54  }
0xd5: {  	[tilespmem:$0xEA0] =	vst v61  }
0xd6: {  	s31 =	simm.s32 $0xCC0;
	[tilespmem:$0xEB0] =	vst v63  }
0xd7: {  	[hbm4b:s1+s2] =	stream.linear.scatter [tilespmem:s31], [sflag:$0x1], $0x200, $0x38;
	[tilespmem:$0xEC0] =	vst v63  }
0xd8: {  	_ =	swait.ge [sflag:s3], $0x200  }
0xd9: {  	[sflag:s3] =	ssyncset.done $0x0  }
0xda: {  	[sflag:s3] =	ssyncadd.s32 $0xFFFFFE00  }
0xdb: {  	_ =	sfence.sel $0x180000  }
0xdc: {  	[bflag:$0x0] =	sbarrier.arrive $0xFFFF  }
0xdd: {  	_ =	strace $0x90000047  }
0xde: {  	s0 =	sadd.s32 $0x100000, s0;
	[bflag:$0x2] =	sbarrier.arrive $0xFFFF  }
0xdf: {  	[sflag:s0] =	ssyncadd.tile.s32 $0x1;
	_ =	shalt  }
.Lfunc_end2:
_tile_overlayer_lowered:
.L_overlay_start_2:
0xe0: {  	(tag) =	ssettag $0x2  }
0xe1: {  	s0 =	rddreg [dreg:$0x0];
	s2 =	stileid.u32  }
0xe2: {  	s1 =	rddreg [dreg:$0x1];
	p0 =	sne.s32 s2, $0x0  }
0xe3: {  	s3 =	rddreg [dreg:$0x2];
	[bflag:$0x3] =	sbarrier.arrive $0xFFFF;
	s2 =	simm.s32 @!p0 $0x1C01  }
0xe4: {  	[timem:s3], [sflag:s2] =	dma.local @!p0 [hbm:s0], s1  }
0xe5: {  	s0 =	simm.s32 @!p0 $0x1  }
0xe6: {  	_ =	swait.ge @!p0 [sflag:s0], s1  }
0xe7: {  	s1 =	ssub.s32 @!p0 $0x0, s1;
	[sflag:s0] =	ssyncset.done @!p0 $0x0  }
0xe8: {  	[sflag:s0] =	ssyncadd.s32 @!p0 s1  }
0xe9: {  	[bflag:$0x3] =	sbarrier.arrive $0xFFFF  }
0xea: {  	_ =	shalt  }

</sc_bundles>
